<compile_context>
chip_gen: v7x
topology: tpu7x:2x2x1
jax: 0.10.2.dev20260603
libtpu: 0.0.44.dev20260713+nightly
codegen_flags: <defaults>
</compile_context>

<pallas_src>
import functools

import jax
import jax.numpy as jnp
from jax import lax
from jax.experimental import pallas as pl
from jax.experimental.pallas import tpu as pltpu
from jax.experimental.pallas import tpu_sc as plsc

_B = 2
_NS = 26
_ND = 13
_NF = _NS + _ND
_V = 100000
_D = 32
_L = 16
_SPT = 4
_NLT = _NS * _B // _SPT
_DT0 = _NLT


def _body(x_hbm, tbl_hbm, dt_hbm, out_hbm, x_v, dt_v, comb_v, dcomb_v,
          stage_v, sem):
    sid = lax.axis_index("s")
    wid = sid

    lanes = lax.iota(jnp.int32, _L)

    @pl.when(wid < _DT0 + _B)
    def _():
        pltpu.sync_copy(x_hbm, x_v)

        @pl.when(wid < _DT0)
        def _():
            pairs = []
            copies = []
            for p in range(_SPT // 2):
                s0 = wid * _SPT + 2 * p
                b = (s0 >= _NS).astype(jnp.int32)
                f0 = s0 - b * _NS

                ids = plsc.load_gather(
                    x_v, [jnp.broadcast_to(b, (_L,)), lanes + f0]
                ).astype(jnp.int32)
                blk = jnp.bitwise_and(ids, -128)
                col = jnp.bitwise_and(ids, 127)
                pairs.append((s0, b, col))

                for k in range(2):
                    off = pl.multiple_of(blk[k], 128)
                    copies.append(pltpu.async_copy(
                        tbl_hbm.at[f0 + k, pl.ds(0, _D), pl.ds(off, 128)],
                        stage_v.at[pl.ds((2 * p + k) * _D, _D)], sem))
            for cp in copies:
                cp.wait()

            outs = []
            for p, (s0, b, col) in enumerate(pairs):
                for k in range(2):
                    i1 = jnp.broadcast_to(col[k], (_L,))
                    for h in range(2):
                        o = (2 * p + k) * _D + h * _L
                        comb_v[pl.ds(o, _L)] = plsc.load_gather(
                            stage_v, [lanes + o, i1])
                outs.append(pltpu.async_copy(
                    comb_v.at[pl.ds(2 * p * _D, 2 * _D)],
                    out_hbm.at[pl.ds(
                        pl.multiple_of(s0 * _D + b * _ND * _D, _D),
                        2 * _D)], sem))
            for cp in outs:
                cp.wait()

        @pl.when(wid >= _DT0)
        def _():
            b = wid - _DT0
            pltpu.sync_copy(dt_hbm, dt_v)
            dv = plsc.load_gather(
                x_v, [jnp.broadcast_to(b, (_L,)), lanes + _NF - _L])
            iz = jnp.broadcast_to(jnp.int32(0), (_L,))
            for j in range(_ND):
                sc = dv[j + _L - _ND]
                ij = jnp.broadcast_to(jnp.int32(j), (_L,))
                for h in range(2):
                    o = j * _D + h * _L
                    dcomb_v[pl.ds(o, _L)] = sc * plsc.load_gather(
                        dt_v, [ij, iz, lanes + h * _L])

            pltpu.sync_copy(
                dcomb_v,
                out_hbm.at[pl.ds(
                    pl.multiple_of((b * _NF + _NS) * _D, _L), _ND * _D)])


_sc_call = functools.partial(
    pl.kernel,
    mesh=plsc.VectorSubcoreMesh(
        core_axis_name="c", subcore_axis_name="s", num_cores=1),
    out_type=jax.ShapeDtypeStruct((_B * _NF * _D,), jnp.float32),
    compiler_params=pltpu.CompilerParams(needs_layout_passes=False),
    scratch_types=[
        pltpu.VMEM((_B, _NF), jnp.float32),
        pltpu.VMEM((_ND, 1, _D), jnp.float32),
        pltpu.VMEM((_SPT * _D,), jnp.float32),
        pltpu.VMEM((_ND * _D,), jnp.float32),
        pltpu.VMEM((_SPT * _D, 128), jnp.float32),
        pltpu.SemaphoreType.DMA,
    ],
)(_body)


def kernel(X, sparse_tables, dense_tables):
    tbl = sparse_tables.transpose(0, 2, 1)
    out = _sc_call(X, tbl, dense_tables)
    return out.reshape(_B, _NF, _D)

# --- scband reference (transcript-rebuilt; emitter-appended) ---
"""Pipeline reference for scband-embedding-all-33165737459906 (READ-ONLY COPY).

The authoritative reference and input builder live on the scoring server;
editing this copy changes nothing except your own understanding.
"""

import jax, jax.numpy as jnp
import numpy as np

B = 2
N_SPARSE = 26
N_DENSE = 13
VOCAB = 100000
D = 32

def setup_inputs(seed: int = 0) -> dict:
    key = jax.random.key(seed)
    k1, k2, k3, k4 = jax.random.split(key, 4)
    ids = jax.random.randint(k1, (B, N_SPARSE), 0, VOCAB)
    dense = jax.random.uniform(k2, (B, N_DENSE), dtype=jnp.float32)
    X = jnp.concatenate([ids.astype(jnp.float32), dense], axis=1)
    sparse_tables = 0.0001 * jax.random.normal(k3, (N_SPARSE, VOCAB, D), dtype=jnp.float32)
    dense_tables = 0.0001 * jax.random.normal(k4, (N_DENSE, 1, D), dtype=jnp.float32)
    return {"X": X, "sparse_tables": sparse_tables, "dense_tables": dense_tables}

def reference(X, sparse_tables, dense_tables):
    # sparse lookups: per-feature embedding gather, each X[:, i:i+1].long() -> [B, 1, D]
    ids = jax.lax.stop_gradient(X[:, :N_SPARSE]).astype(jnp.int32)
    sparse_embedding_list = [jnp.take(sparse_tables[i], ids[:, i:i + 1], axis=0) for i in range(N_SPARSE)]
    sparse_value = jnp.concatenate(sparse_embedding_list, axis=1)  # [B, N_SPARSE, D]
    # dense values: X[:, start].unsqueeze(1) -> [B,1], cat -> [B, N_DENSE], unsqueeze(-1)
    dense_value_list = [X[:, N_SPARSE + j][:, None] for j in range(N_DENSE)]
    dense_value = jnp.concatenate(dense_value_list, axis=1)[:, :, None]  # [B, N_DENSE, 1]
    # dense embeddings: each nn.Embedding(1, D) looked up at index 0 -> [1, D]
    dense_emb_list = [jnp.take(dense_tables[j], jnp.array([0], dtype=jnp.int32), axis=0) for j in range(N_DENSE)]
    dense_emb = jnp.concatenate(dense_emb_list, axis=0)  # [N_DENSE, D]
    # faithful to the hardcoded .repeat([2, 1, 1]) in the original module (requires B == 2)
    dense_emb_value = jnp.tile(dense_emb[None, :, :], (2, 1, 1))  # [2, N_DENSE, D]
    return jnp.concatenate([sparse_value, dense_value * dense_emb_value], axis=1)  # [B, N_SPARSE+N_DENSE, D]

if __name__ == "__main__":
    import jax
    _d = setup_inputs()
    print(jax.jit(kernel)(*tuple(_d.values())))

</pallas_src>

<mosaic_0001>
#map = affine_map<(d0, d1) -> (0, 0)>
#map1 = affine_map<(d0, d1) -> (0, 0, 0)>
#map2 = affine_map<(d0, d1) -> (0)>
module attributes {stable_mosaic.version = 14 : i64} {
  func.func @_body(%arg0: i32, %arg1: i32, %arg2: memref<2x39xf32, #tpu.memory_space<hbm>>, %arg3: memref<26x32x100000xf32, #tpu.memory_space<hbm>>, %arg4: memref<13x1x32xf32, #tpu.memory_space<hbm>>, %arg5: memref<2496xf32, #tpu.memory_space<hbm>>, %arg6: memref<2x39xf32, #tpu.memory_space<vmem>>, %arg7: memref<13x1x32xf32, #tpu.memory_space<vmem>>, %arg8: memref<128xf32, #tpu.memory_space<vmem>>, %arg9: memref<416xf32, #tpu.memory_space<vmem>>, %arg10: memref<128x128xf32, #tpu.memory_space<vmem>>, %arg11: memref<!tpu.dma_semaphore, #tpu.memory_space<semaphore_mem>>) attributes {dimension_semantics = [#tpu.dimension_semantics<core_parallel>, #tpu.dimension_semantics<subcore_parallel>], iteration_bounds = array<i64: 1, 16>, scalar_prefetch = 0 : i64, scratch_operands = 6 : i64, tpu.core_type = #tpu.core_type<sc_vector_subcore>, window_params = [{transform_indices = #map}, {transform_indices = #map1}, {transform_indices = #map1}, {transform_indices = #map2}]} {
    %iota3A = tpu.iota {dimensions = array<i32: 0>} : vector<16xi32>
    %lt3A = arith.constant 15 : i32
    %lt3A_0 = arith.cmpi slt, %arg1, %lt3A : i32
    %convert_element_type3A = arith.extui %lt3A_0 : i1 to i32
    %cond3A = arith.constant 0 : i32
    %cond3A_1 = arith.cmpi ne, %convert_element_type3A, %cond3A : i32
    scf.if %cond3A_1 {
      "tpu.region"() ({
        %run_scoped3A = tpu.sem_alloc : memref<!tpu.dma_semaphore, #tpu.memory_space<semaphore_mem>>
        tpu.enqueue_dma source(%arg2 : memref<2x39xf32, #tpu.memory_space<hbm>>) target(%arg6 : memref<2x39xf32, #tpu.memory_space<vmem>>) target_semaphore(%run_scoped3A : memref<!tpu.dma_semaphore, #tpu.memory_space<semaphore_mem>>)
        tpu.wait_dma2 semaphore(%run_scoped3A : memref<!tpu.dma_semaphore, #tpu.memory_space<semaphore_mem>>) src(%arg2 : memref<2x39xf32, #tpu.memory_space<hbm>>) dst(%arg6 : memref<2x39xf32, #tpu.memory_space<vmem>>)
        tpu.yield
      }) : () -> ()
      %lt3A_2 = arith.constant 13 : i32
      %lt3A_3 = arith.cmpi slt, %arg1, %lt3A_2 : i32
      %convert_element_type3A_4 = arith.extui %lt3A_3 : i1 to i32
      %cond3A_5 = arith.constant 0 : i32
      %cond3A_6 = arith.cmpi ne, %convert_element_type3A_4, %cond3A_5 : i32
      scf.if %cond3A_6 {
        %mul3A = arith.constant 4 : i32
        %mul3A_11 = arith.muli %arg1, %mul3A : i32
        %add3A = arith.constant 0 : i32
        %add3A_12 = arith.addi %mul3A_11, %add3A : i32
        %ge3A_13 = arith.constant 26 : i32
        %ge3A_14 = arith.cmpi sge, %add3A_12, %ge3A_13 : i32
        %convert_element_type3A_15 = arith.extui %ge3A_14 : i1 to i32
        %mul3A_16 = arith.constant 26 : i32
        %mul3A_17 = arith.muli %convert_element_type3A_15, %mul3A_16 : i32
        %sub3A = arith.subi %add3A_12, %mul3A_17 : i32
        %broadcast_in_dim3A = vector.broadcast %convert_element_type3A_15 : i32 to vector<16xi32>
        %add3A_18 = vector.broadcast %sub3A : i32 to vector<16xi32>
        %add3A_19 = arith.addi %iota3A, %add3A_18 : vector<16xi32>
        %gather3A = tpu.vector_load_idx %arg6[%broadcast_in_dim3A, %add3A_19] : memref<2x39xf32, #tpu.memory_space<vmem>>[vector<16xi32>, vector<16xi32>], vector<16xf32>,
        %convert_element_type3A_20 = arith.fptosi %gather3A : vector<16xf32> to vector<16xi32>
        %and3A = arith.constant -128 : i32
        %and3A_21 = vector.broadcast %and3A : i32 to vector<16xi32>
        %and3A_22 = arith.andi %convert_element_type3A_20, %and3A_21 : vector<16xi32>
        %and3A_23 = arith.constant 127 : i32
        %and3A_24 = vector.broadcast %and3A_23 : i32 to vector<16xi32>
        %and3A_25 = arith.andi %convert_element_type3A_20, %and3A_24 : vector<16xi32>
        %slice3A = vector.extract_strided_slice %and3A_22 {offsets = [0], sizes = [1], strides = [1]} : vector<16xi32> to vector<1xi32>
        %squeeze3A = vector.extract %slice3A[0] : i32 from vector<1xi32>
        %multiple_of3A = tpu.assume_multiple %squeeze3A, 128 : i32
        %add3A_26 = arith.constant 0 : i32
        %add3A_27 = arith.addi %sub3A, %add3A_26 : i32
        %dma_start3A = arith.constant 0 : i32
        %dma_start3A_28 = arith.constant 0 : i32
        %dma_start3A_29 = tpu.memref_slice %arg10[%dma_start3A, %dma_start3A_28] : memref<128x128xf32, #tpu.memory_space<vmem>> -> memref<32x128xf32, #tpu.memory_space<vmem>>
        %dma_start3A_30 = arith.constant 0 : i32
        %dma_start3A_31 = tpu.memref_slice %arg3[%add3A_27, %dma_start3A_30, %multiple_of3A] : memref<26x32x100000xf32, #tpu.memory_space<hbm>> -> memref<1x32x128xf32, #tpu.memory_space<hbm>>
        %dma_start3A_32 = tpu.memref_squeeze %dma_start3A_31 : memref<1x32x128xf32, #tpu.memory_space<hbm>> -> memref<32x128xf32, #tpu.memory_space<hbm>>
        %dma_start3A_33 = arith.constant 0 : i32
        %dma_start3A_34 = arith.constant 0 : i32
        %dma_start3A_35 = tpu.memref_slice %arg10[%dma_start3A_33, %dma_start3A_34] : memref<128x128xf32, #tpu.memory_space<vmem>> -> memref<32x128xf32, #tpu.memory_space<vmem>>
        %dma_start3A_36 = arith.constant 0 : i32
        %dma_start3A_37 = tpu.memref_slice %arg3[%add3A_27, %dma_start3A_36, %multiple_of3A] : memref<26x32x100000xf32, #tpu.memory_space<hbm>> -> memref<1x32x128xf32, #tpu.memory_space<hbm>>
        %dma_start3A_38 = tpu.memref_squeeze %dma_start3A_37 : memref<1x32x128xf32, #tpu.memory_space<hbm>> -> memref<32x128xf32, #tpu.memory_space<hbm>>
        tpu.enqueue_dma source(%dma_start3A_38 : memref<32x128xf32, #tpu.memory_space<hbm>>) target(%dma_start3A_35 : memref<32x128xf32, #tpu.memory_space<vmem>>) target_semaphore(%arg11 : memref<!tpu.dma_semaphore, #tpu.memory_space<semaphore_mem>>)
        %slice3A_39 = vector.extract_strided_slice %and3A_22 {offsets = [1], sizes = [1], strides = [1]} : vector<16xi32> to vector<1xi32>
        %squeeze3A_40 = vector.extract %slice3A_39[0] : i32 from vector<1xi32>
        %multiple_of3A_41 = tpu.assume_multiple %squeeze3A_40, 128 : i32
        %add3A_42 = arith.constant 1 : i32
        %add3A_43 = arith.addi %sub3A, %add3A_42 : i32
        %dma_start3A_44 = arith.constant 32 : i32
        %dma_start3A_45 = arith.constant 0 : i32
        %dma_start3A_46 = tpu.memref_slice %arg10[%dma_start3A_44, %dma_start3A_45] : memref<128x128xf32, #tpu.memory_space<vmem>> -> memref<32x128xf32, #tpu.memory_space<vmem>>
        %dma_start3A_47 = arith.constant 0 : i32
        %dma_start3A_48 = tpu.memref_slice %arg3[%add3A_43, %dma_start3A_47, %multiple_of3A_41] : memref<26x32x100000xf32, #tpu.memory_space<hbm>> -> memref<1x32x128xf32, #tpu.memory_space<hbm>>
        %dma_start3A_49 = tpu.memref_squeeze %dma_start3A_48 : memref<1x32x128xf32, #tpu.memory_space<hbm>> -> memref<32x128xf32, #tpu.memory_space<hbm>>
        %dma_start3A_50 = arith.constant 32 : i32
        %dma_start3A_51 = arith.constant 0 : i32
        %dma_start3A_52 = tpu.memref_slice %arg10[%dma_start3A_50, %dma_start3A_51] : memref<128x128xf32, #tpu.memory_space<vmem>> -> memref<32x128xf32, #tpu.memory_space<vmem>>
        %dma_start3A_53 = arith.constant 0 : i32
        %dma_start3A_54 = tpu.memref_slice %arg3[%add3A_43, %dma_start3A_53, %multiple_of3A_41] : memref<26x32x100000xf32, #tpu.memory_space<hbm>> -> memref<1x32x128xf32, #tpu.memory_space<hbm>>
        %dma_start3A_55 = tpu.memref_squeeze %dma_start3A_54 : memref<1x32x128xf32, #tpu.memory_space<hbm>> -> memref<32x128xf32, #tpu.memory_space<hbm>>
        tpu.enqueue_dma source(%dma_start3A_55 : memref<32x128xf32, #tpu.memory_space<hbm>>) target(%dma_start3A_52 : memref<32x128xf32, #tpu.memory_space<vmem>>) target_semaphore(%arg11 : memref<!tpu.dma_semaphore, #tpu.memory_space<semaphore_mem>>)
        %mul3A_56 = arith.constant 4 : i32
        %mul3A_57 = arith.muli %arg1, %mul3A_56 : i32
        %add3A_58 = arith.constant 2 : i32
        %add3A_59 = arith.addi %mul3A_57, %add3A_58 : i32
        %ge3A_60 = arith.constant 26 : i32
        %ge3A_61 = arith.cmpi sge, %add3A_59, %ge3A_60 : i32
        %convert_element_type3A_62 = arith.extui %ge3A_61 : i1 to i32
        %mul3A_63 = arith.constant 26 : i32
        %mul3A_64 = arith.muli %convert_element_type3A_62, %mul3A_63 : i32
        %sub3A_65 = arith.subi %add3A_59, %mul3A_64 : i32
        %broadcast_in_dim3A_66 = vector.broadcast %convert_element_type3A_62 : i32 to vector<16xi32>
        %add3A_67 = vector.broadcast %sub3A_65 : i32 to vector<16xi32>
        %add3A_68 = arith.addi %iota3A, %add3A_67 : vector<16xi32>
        %gather3A_69 = tpu.vector_load_idx %arg6[%broadcast_in_dim3A_66, %add3A_68] : memref<2x39xf32, #tpu.memory_space<vmem>>[vector<16xi32>, vector<16xi32>], vector<16xf32>,
        %convert_element_type3A_70 = arith.fptosi %gather3A_69 : vector<16xf32> to vector<16xi32>
        %and3A_71 = arith.constant -128 : i32
        %and3A_72 = vector.broadcast %and3A_71 : i32 to vector<16xi32>
        %and3A_73 = arith.andi %convert_element_type3A_70, %and3A_72 : vector<16xi32>
        %and3A_74 = arith.constant 127 : i32
        %and3A_75 = vector.broadcast %and3A_74 : i32 to vector<16xi32>
        %and3A_76 = arith.andi %convert_element_type3A_70, %and3A_75 : vector<16xi32>
        %slice3A_77 = vector.extract_strided_slice %and3A_73 {offsets = [0], sizes = [1], strides = [1]} : vector<16xi32> to vector<1xi32>
        %squeeze3A_78 = vector.extract %slice3A_77[0] : i32 from vector<1xi32>
        %multiple_of3A_79 = tpu.assume_multiple %squeeze3A_78, 128 : i32
        %add3A_80 = arith.constant 0 : i32
        %add3A_81 = arith.addi %sub3A_65, %add3A_80 : i32
        %dma_start3A_82 = arith.constant 64 : i32
        %dma_start3A_83 = arith.constant 0 : i32
        %dma_start3A_84 = tpu.memref_slice %arg10[%dma_start3A_82, %dma_start3A_83] : memref<128x128xf32, #tpu.memory_space<vmem>> -> memref<32x128xf32, #tpu.memory_space<vmem>>
        %dma_start3A_85 = arith.constant 0 : i32
        %dma_start3A_86 = tpu.memref_slice %arg3[%add3A_81, %dma_start3A_85, %multiple_of3A_79] : memref<26x32x100000xf32, #tpu.memory_space<hbm>> -> memref<1x32x128xf32, #tpu.memory_space<hbm>>
        %dma_start3A_87 = tpu.memref_squeeze %dma_start3A_86 : memref<1x32x128xf32, #tpu.memory_space<hbm>> -> memref<32x128xf32, #tpu.memory_space<hbm>>
        %dma_start3A_88 = arith.constant 64 : i32
        %dma_start3A_89 = arith.constant 0 : i32
        %dma_start3A_90 = tpu.memref_slice %arg10[%dma_start3A_88, %dma_start3A_89] : memref<128x128xf32, #tpu.memory_space<vmem>> -> memref<32x128xf32, #tpu.memory_space<vmem>>
        %dma_start3A_91 = arith.constant 0 : i32
        %dma_start3A_92 = tpu.memref_slice %arg3[%add3A_81, %dma_start3A_91, %multiple_of3A_79] : memref<26x32x100000xf32, #tpu.memory_space<hbm>> -> memref<1x32x128xf32, #tpu.memory_space<hbm>>
        %dma_start3A_93 = tpu.memref_squeeze %dma_start3A_92 : memref<1x32x128xf32, #tpu.memory_space<hbm>> -> memref<32x128xf32, #tpu.memory_space<hbm>>
        tpu.enqueue_dma source(%dma_start3A_93 : memref<32x128xf32, #tpu.memory_space<hbm>>) target(%dma_start3A_90 : memref<32x128xf32, #tpu.memory_space<vmem>>) target_semaphore(%arg11 : memref<!tpu.dma_semaphore, #tpu.memory_space<semaphore_mem>>)
        %slice3A_94 = vector.extract_strided_slice %and3A_73 {offsets = [1], sizes = [1], strides = [1]} : vector<16xi32> to vector<1xi32>
        %squeeze3A_95 = vector.extract %slice3A_94[0] : i32 from vector<1xi32>
        %multiple_of3A_96 = tpu.assume_multiple %squeeze3A_95, 128 : i32
        %add3A_97 = arith.constant 1 : i32
        %add3A_98 = arith.addi %sub3A_65, %add3A_97 : i32
        %dma_start3A_99 = arith.constant 96 : i32
        %dma_start3A_100 = arith.constant 0 : i32
        %dma_start3A_101 = tpu.memref_slice %arg10[%dma_start3A_99, %dma_start3A_100] : memref<128x128xf32, #tpu.memory_space<vmem>> -> memref<32x128xf32, #tpu.memory_space<vmem>>
        %dma_start3A_102 = arith.constant 0 : i32
        %dma_start3A_103 = tpu.memref_slice %arg3[%add3A_98, %dma_start3A_102, %multiple_of3A_96] : memref<26x32x100000xf32, #tpu.memory_space<hbm>> -> memref<1x32x128xf32, #tpu.memory_space<hbm>>
        %dma_start3A_104 = tpu.memref_squeeze %dma_start3A_103 : memref<1x32x128xf32, #tpu.memory_space<hbm>> -> memref<32x128xf32, #tpu.memory_space<hbm>>
        %dma_start3A_105 = arith.constant 96 : i32
        %dma_start3A_106 = arith.constant 0 : i32
        %dma_start3A_107 = tpu.memref_slice %arg10[%dma_start3A_105, %dma_start3A_106] : memref<128x128xf32, #tpu.memory_space<vmem>> -> memref<32x128xf32, #tpu.memory_space<vmem>>
        %dma_start3A_108 = arith.constant 0 : i32
        %dma_start3A_109 = tpu.memref_slice %arg3[%add3A_98, %dma_start3A_108, %multiple_of3A_96] : memref<26x32x100000xf32, #tpu.memory_space<hbm>> -> memref<1x32x128xf32, #tpu.memory_space<hbm>>
        %dma_start3A_110 = tpu.memref_squeeze %dma_start3A_109 : memref<1x32x128xf32, #tpu.memory_space<hbm>> -> memref<32x128xf32, #tpu.memory_space<hbm>>
        tpu.enqueue_dma source(%dma_start3A_110 : memref<32x128xf32, #tpu.memory_space<hbm>>) target(%dma_start3A_107 : memref<32x128xf32, #tpu.memory_space<vmem>>) target_semaphore(%arg11 : memref<!tpu.dma_semaphore, #tpu.memory_space<semaphore_mem>>)
        %dma_wait3A = arith.constant 0 : i32
        %dma_wait3A_111 = arith.constant 0 : i32
        %dma_wait3A_112 = tpu.memref_slice %arg10[%dma_wait3A, %dma_wait3A_111] : memref<128x128xf32, #tpu.memory_space<vmem>> -> memref<32x128xf32, #tpu.memory_space<vmem>>
        %dma_wait3A_113 = arith.constant 0 : i32
        %dma_wait3A_114 = tpu.memref_slice %arg3[%add3A_27, %dma_wait3A_113, %multiple_of3A] : memref<26x32x100000xf32, #tpu.memory_space<hbm>> -> memref<1x32x128xf32, #tpu.memory_space<hbm>>
        %dma_wait3A_115 = tpu.memref_squeeze %dma_wait3A_114 : memref<1x32x128xf32, #tpu.memory_space<hbm>> -> memref<32x128xf32, #tpu.memory_space<hbm>>
        %dma_wait3A_116 = arith.constant 0 : i32
        %dma_wait3A_117 = arith.constant 0 : i32
        %dma_wait3A_118 = tpu.memref_slice %arg10[%dma_wait3A_116, %dma_wait3A_117] : memref<128x128xf32, #tpu.memory_space<vmem>> -> memref<32x128xf32, #tpu.memory_space<vmem>>
        %dma_wait3A_119 = arith.constant 0 : i32
        %dma_wait3A_120 = tpu.memref_slice %arg3[%add3A_27, %dma_wait3A_119, %multiple_of3A] : memref<26x32x100000xf32, #tpu.memory_space<hbm>> -> memref<1x32x128xf32, #tpu.memory_space<hbm>>
        %dma_wait3A_121 = tpu.memref_squeeze %dma_wait3A_120 : memref<1x32x128xf32, #tpu.memory_space<hbm>> -> memref<32x128xf32, #tpu.memory_space<hbm>>
        tpu.wait_dma2 semaphore(%arg11 : memref<!tpu.dma_semaphore, #tpu.memory_space<semaphore_mem>>) src(%dma_wait3A_121 : memref<32x128xf32, #tpu.memory_space<hbm>>) dst(%dma_wait3A_118 : memref<32x128xf32, #tpu.memory_space<vmem>>)
        %dma_wait3A_122 = arith.constant 32 : i32
        %dma_wait3A_123 = arith.constant 0 : i32
        %dma_wait3A_124 = tpu.memref_slice %arg10[%dma_wait3A_122, %dma_wait3A_123] : memref<128x128xf32, #tpu.memory_space<vmem>> -> memref<32x128xf32, #tpu.memory_space<vmem>>
        %dma_wait3A_125 = arith.constant 0 : i32
        %dma_wait3A_126 = tpu.memref_slice %arg3[%add3A_43, %dma_wait3A_125, %multiple_of3A_41] : memref<26x32x100000xf32, #tpu.memory_space<hbm>> -> memref<1x32x128xf32, #tpu.memory_space<hbm>>
        %dma_wait3A_127 = tpu.memref_squeeze %dma_wait3A_126 : memref<1x32x128xf32, #tpu.memory_space<hbm>> -> memref<32x128xf32, #tpu.memory_space<hbm>>
        %dma_wait3A_128 = arith.constant 32 : i32
        %dma_wait3A_129 = arith.constant 0 : i32
        %dma_wait3A_130 = tpu.memref_slice %arg10[%dma_wait3A_128, %dma_wait3A_129] : memref<128x128xf32, #tpu.memory_space<vmem>> -> memref<32x128xf32, #tpu.memory_space<vmem>>
        %dma_wait3A_131 = arith.constant 0 : i32
        %dma_wait3A_132 = tpu.memref_slice %arg3[%add3A_43, %dma_wait3A_131, %multiple_of3A_41] : memref<26x32x100000xf32, #tpu.memory_space<hbm>> -> memref<1x32x128xf32, #tpu.memory_space<hbm>>
        %dma_wait3A_133 = tpu.memref_squeeze %dma_wait3A_132 : memref<1x32x128xf32, #tpu.memory_space<hbm>> -> memref<32x128xf32, #tpu.memory_space<hbm>>
        tpu.wait_dma2 semaphore(%arg11 : memref<!tpu.dma_semaphore, #tpu.memory_space<semaphore_mem>>) src(%dma_wait3A_133 : memref<32x128xf32, #tpu.memory_space<hbm>>) dst(%dma_wait3A_130 : memref<32x128xf32, #tpu.memory_space<vmem>>)
        %dma_wait3A_134 = arith.constant 64 : i32
        %dma_wait3A_135 = arith.constant 0 : i32
        %dma_wait3A_136 = tpu.memref_slice %arg10[%dma_wait3A_134, %dma_wait3A_135] : memref<128x128xf32, #tpu.memory_space<vmem>> -> memref<32x128xf32, #tpu.memory_space<vmem>>
        %dma_wait3A_137 = arith.constant 0 : i32
        %dma_wait3A_138 = tpu.memref_slice %arg3[%add3A_81, %dma_wait3A_137, %multiple_of3A_79] : memref<26x32x100000xf32, #tpu.memory_space<hbm>> -> memref<1x32x128xf32, #tpu.memory_space<hbm>>
        %dma_wait3A_139 = tpu.memref_squeeze %dma_wait3A_138 : memref<1x32x128xf32, #tpu.memory_space<hbm>> -> memref<32x128xf32, #tpu.memory_space<hbm>>
        %dma_wait3A_140 = arith.constant 64 : i32
        %dma_wait3A_141 = arith.constant 0 : i32
        %dma_wait3A_142 = tpu.memref_slice %arg10[%dma_wait3A_140, %dma_wait3A_141] : memref<128x128xf32, #tpu.memory_space<vmem>> -> memref<32x128xf32, #tpu.memory_space<vmem>>
        %dma_wait3A_143 = arith.constant 0 : i32
        %dma_wait3A_144 = tpu.memref_slice %arg3[%add3A_81, %dma_wait3A_143, %multiple_of3A_79] : memref<26x32x100000xf32, #tpu.memory_space<hbm>> -> memref<1x32x128xf32, #tpu.memory_space<hbm>>
        %dma_wait3A_145 = tpu.memref_squeeze %dma_wait3A_144 : memref<1x32x128xf32, #tpu.memory_space<hbm>> -> memref<32x128xf32, #tpu.memory_space<hbm>>
        tpu.wait_dma2 semaphore(%arg11 : memref<!tpu.dma_semaphore, #tpu.memory_space<semaphore_mem>>) src(%dma_wait3A_145 : memref<32x128xf32, #tpu.memory_space<hbm>>) dst(%dma_wait3A_142 : memref<32x128xf32, #tpu.memory_space<vmem>>)
        %dma_wait3A_146 = arith.constant 96 : i32
        %dma_wait3A_147 = arith.constant 0 : i32
        %dma_wait3A_148 = tpu.memref_slice %arg10[%dma_wait3A_146, %dma_wait3A_147] : memref<128x128xf32, #tpu.memory_space<vmem>> -> memref<32x128xf32, #tpu.memory_space<vmem>>
        %dma_wait3A_149 = arith.constant 0 : i32
        %dma_wait3A_150 = tpu.memref_slice %arg3[%add3A_98, %dma_wait3A_149, %multiple_of3A_96] : memref<26x32x100000xf32, #tpu.memory_space<hbm>> -> memref<1x32x128xf32, #tpu.memory_space<hbm>>
        %dma_wait3A_151 = tpu.memref_squeeze %dma_wait3A_150 : memref<1x32x128xf32, #tpu.memory_space<hbm>> -> memref<32x128xf32, #tpu.memory_space<hbm>>
        %dma_wait3A_152 = arith.constant 96 : i32
        %dma_wait3A_153 = arith.constant 0 : i32
        %dma_wait3A_154 = tpu.memref_slice %arg10[%dma_wait3A_152, %dma_wait3A_153] : memref<128x128xf32, #tpu.memory_space<vmem>> -> memref<32x128xf32, #tpu.memory_space<vmem>>
        %dma_wait3A_155 = arith.constant 0 : i32
        %dma_wait3A_156 = tpu.memref_slice %arg3[%add3A_98, %dma_wait3A_155, %multiple_of3A_96] : memref<26x32x100000xf32, #tpu.memory_space<hbm>> -> memref<1x32x128xf32, #tpu.memory_space<hbm>>
        %dma_wait3A_157 = tpu.memref_squeeze %dma_wait3A_156 : memref<1x32x128xf32, #tpu.memory_space<hbm>> -> memref<32x128xf32, #tpu.memory_space<hbm>>
        tpu.wait_dma2 semaphore(%arg11 : memref<!tpu.dma_semaphore, #tpu.memory_space<semaphore_mem>>) src(%dma_wait3A_157 : memref<32x128xf32, #tpu.memory_space<hbm>>) dst(%dma_wait3A_154 : memref<32x128xf32, #tpu.memory_space<vmem>>)
        %slice3A_158 = vector.extract_strided_slice %and3A_25 {offsets = [0], sizes = [1], strides = [1]} : vector<16xi32> to vector<1xi32>
        %squeeze3A_159 = vector.extract %slice3A_158[0] : i32 from vector<1xi32>
        %broadcast_in_dim3A_160 = vector.broadcast %squeeze3A_159 : i32 to vector<16xi32>
        %add3A_161 = arith.constant 0 : i32
        %add3A_162 = vector.broadcast %add3A_161 : i32 to vector<16xi32>
        %add3A_163 = arith.addi %iota3A, %add3A_162 : vector<16xi32>
        %gather3A_164 = tpu.vector_load_idx %arg10[%add3A_163, %broadcast_in_dim3A_160] : memref<128x128xf32, #tpu.memory_space<vmem>>[vector<16xi32>, vector<16xi32>], vector<16xf32>,
        %swap3A = arith.constant 0 : index
        %swap3A_165 = tpu.vector_load %arg8[%swap3A] {strides = array<i32>} : memref<128xf32, #tpu.memory_space<vmem>>, vector<16xf32>,
        tpu.vector_store %arg8[%swap3A], %gather3A_164 {strides = array<i32>} : memref<128xf32, #tpu.memory_space<vmem>>, vector<16xf32>,
        %add3A_166 = arith.constant 16 : i32
        %add3A_167 = vector.broadcast %add3A_166 : i32 to vector<16xi32>
        %add3A_168 = arith.addi %iota3A, %add3A_167 : vector<16xi32>
        %gather3A_169 = tpu.vector_load_idx %arg10[%add3A_168, %broadcast_in_dim3A_160] : memref<128x128xf32, #tpu.memory_space<vmem>>[vector<16xi32>, vector<16xi32>], vector<16xf32>,
        %swap3A_170 = arith.constant 16 : index
        %swap3A_171 = tpu.vector_load %arg8[%swap3A_170] {strides = array<i32>} : memref<128xf32, #tpu.memory_space<vmem>>, vector<16xf32>,
        tpu.vector_store %arg8[%swap3A_170], %gather3A_169 {strides = array<i32>} : memref<128xf32, #tpu.memory_space<vmem>>, vector<16xf32>,
        %slice3A_172 = vector.extract_strided_slice %and3A_25 {offsets = [1], sizes = [1], strides = [1]} : vector<16xi32> to vector<1xi32>
        %squeeze3A_173 = vector.extract %slice3A_172[0] : i32 from vector<1xi32>
        %broadcast_in_dim3A_174 = vector.broadcast %squeeze3A_173 : i32 to vector<16xi32>
        %add3A_175 = arith.constant 32 : i32
        %add3A_176 = vector.broadcast %add3A_175 : i32 to vector<16xi32>
        %add3A_177 = arith.addi %iota3A, %add3A_176 : vector<16xi32>
        %gather3A_178 = tpu.vector_load_idx %arg10[%add3A_177, %broadcast_in_dim3A_174] : memref<128x128xf32, #tpu.memory_space<vmem>>[vector<16xi32>, vector<16xi32>], vector<16xf32>,
        %swap3A_179 = arith.constant 32 : index
        %swap3A_180 = tpu.vector_load %arg8[%swap3A_179] {strides = array<i32>} : memref<128xf32, #tpu.memory_space<vmem>>, vector<16xf32>,
        tpu.vector_store %arg8[%swap3A_179], %gather3A_178 {strides = array<i32>} : memref<128xf32, #tpu.memory_space<vmem>>, vector<16xf32>,
        %add3A_181 = arith.constant 48 : i32
        %add3A_182 = vector.broadcast %add3A_181 : i32 to vector<16xi32>
        %add3A_183 = arith.addi %iota3A, %add3A_182 : vector<16xi32>
        %gather3A_184 = tpu.vector_load_idx %arg10[%add3A_183, %broadcast_in_dim3A_174] : memref<128x128xf32, #tpu.memory_space<vmem>>[vector<16xi32>, vector<16xi32>], vector<16xf32>,
        %swap3A_185 = arith.constant 48 : index
        %swap3A_186 = tpu.vector_load %arg8[%swap3A_185] {strides = array<i32>} : memref<128xf32, #tpu.memory_space<vmem>>, vector<16xf32>,
        tpu.vector_store %arg8[%swap3A_185], %gather3A_184 {strides = array<i32>} : memref<128xf32, #tpu.memory_space<vmem>>, vector<16xf32>,
        %mul3A_187 = arith.constant 32 : i32
        %mul3A_188 = arith.muli %add3A_12, %mul3A_187 : i32
        %mul3A_189 = arith.constant 13 : i32
        %mul3A_190 = arith.muli %convert_element_type3A_15, %mul3A_189 : i32
        %mul3A_191 = arith.constant 32 : i32
        %mul3A_192 = arith.muli %mul3A_190, %mul3A_191 : i32
        %add3A_193 = arith.addi %mul3A_188, %mul3A_192 : i32
        %multiple_of3A_194 = tpu.assume_multiple %add3A_193, 32 : i32
        %dma_start3A_195 = arith.constant 0 : i32
        %dma_start3A_196 = tpu.memref_slice %arg8[%dma_start3A_195] : memref<128xf32, #tpu.memory_space<vmem>> -> memref<64xf32, #tpu.memory_space<vmem>>
        %dma_start3A_197 = tpu.memref_slice %arg5[%multiple_of3A_194] : memref<2496xf32, #tpu.memory_space<hbm>> -> memref<64xf32, #tpu.memory_space<hbm>>
        %dma_start3A_198 = tpu.memref_slice %arg5[%multiple_of3A_194] : memref<2496xf32, #tpu.memory_space<hbm>> -> memref<64xf32, #tpu.memory_space<hbm>>
        %dma_start3A_199 = arith.constant 0 : i32
        %dma_start3A_200 = tpu.memref_slice %arg8[%dma_start3A_199] : memref<128xf32, #tpu.memory_space<vmem>> -> memref<64xf32, #tpu.memory_space<vmem>>
        tpu.enqueue_dma source(%dma_start3A_200 : memref<64xf32, #tpu.memory_space<vmem>>) target(%dma_start3A_198 : memref<64xf32, #tpu.memory_space<hbm>>) target_semaphore(%arg11 : memref<!tpu.dma_semaphore, #tpu.memory_space<semaphore_mem>>)
        %slice3A_201 = vector.extract_strided_slice %and3A_76 {offsets = [0], sizes = [1], strides = [1]} : vector<16xi32> to vector<1xi32>
        %squeeze3A_202 = vector.extract %slice3A_201[0] : i32 from vector<1xi32>
        %broadcast_in_dim3A_203 = vector.broadcast %squeeze3A_202 : i32 to vector<16xi32>
        %add3A_204 = arith.constant 64 : i32
        %add3A_205 = vector.broadcast %add3A_204 : i32 to vector<16xi32>
        %add3A_206 = arith.addi %iota3A, %add3A_205 : vector<16xi32>
        %gather3A_207 = tpu.vector_load_idx %arg10[%add3A_206, %broadcast_in_dim3A_203] : memref<128x128xf32, #tpu.memory_space<vmem>>[vector<16xi32>, vector<16xi32>], vector<16xf32>,
        %swap3A_208 = arith.constant 64 : index
        %swap3A_209 = tpu.vector_load %arg8[%swap3A_208] {strides = array<i32>} : memref<128xf32, #tpu.memory_space<vmem>>, vector<16xf32>,
        tpu.vector_store %arg8[%swap3A_208], %gather3A_207 {strides = array<i32>} : memref<128xf32, #tpu.memory_space<vmem>>, vector<16xf32>,
        %add3A_210 = arith.constant 80 : i32
        %add3A_211 = vector.broadcast %add3A_210 : i32 to vector<16xi32>
        %add3A_212 = arith.addi %iota3A, %add3A_211 : vector<16xi32>
        %gather3A_213 = tpu.vector_load_idx %arg10[%add3A_212, %broadcast_in_dim3A_203] : memref<128x128xf32, #tpu.memory_space<vmem>>[vector<16xi32>, vector<16xi32>], vector<16xf32>,
        %swap3A_214 = arith.constant 80 : index
        %swap3A_215 = tpu.vector_load %arg8[%swap3A_214] {strides = array<i32>} : memref<128xf32, #tpu.memory_space<vmem>>, vector<16xf32>,
        tpu.vector_store %arg8[%swap3A_214], %gather3A_213 {strides = array<i32>} : memref<128xf32, #tpu.memory_space<vmem>>, vector<16xf32>,
        %slice3A_216 = vector.extract_strided_slice %and3A_76 {offsets = [1], sizes = [1], strides = [1]} : vector<16xi32> to vector<1xi32>
        %squeeze3A_217 = vector.extract %slice3A_216[0] : i32 from vector<1xi32>
        %broadcast_in_dim3A_218 = vector.broadcast %squeeze3A_217 : i32 to vector<16xi32>
        %add3A_219 = arith.constant 96 : i32
        %add3A_220 = vector.broadcast %add3A_219 : i32 to vector<16xi32>
        %add3A_221 = arith.addi %iota3A, %add3A_220 : vector<16xi32>
        %gather3A_222 = tpu.vector_load_idx %arg10[%add3A_221, %broadcast_in_dim3A_218] : memref<128x128xf32, #tpu.memory_space<vmem>>[vector<16xi32>, vector<16xi32>], vector<16xf32>,
        %swap3A_223 = arith.constant 96 : index
        %swap3A_224 = tpu.vector_load %arg8[%swap3A_223] {strides = array<i32>} : memref<128xf32, #tpu.memory_space<vmem>>, vector<16xf32>,
        tpu.vector_store %arg8[%swap3A_223], %gather3A_222 {strides = array<i32>} : memref<128xf32, #tpu.memory_space<vmem>>, vector<16xf32>,
        %add3A_225 = arith.constant 112 : i32
        %add3A_226 = vector.broadcast %add3A_225 : i32 to vector<16xi32>
        %add3A_227 = arith.addi %iota3A, %add3A_226 : vector<16xi32>
        %gather3A_228 = tpu.vector_load_idx %arg10[%add3A_227, %broadcast_in_dim3A_218] : memref<128x128xf32, #tpu.memory_space<vmem>>[vector<16xi32>, vector<16xi32>], vector<16xf32>,
        %swap3A_229 = arith.constant 112 : index
        %swap3A_230 = tpu.vector_load %arg8[%swap3A_229] {strides = array<i32>} : memref<128xf32, #tpu.memory_space<vmem>>, vector<16xf32>,
        tpu.vector_store %arg8[%swap3A_229], %gather3A_228 {strides = array<i32>} : memref<128xf32, #tpu.memory_space<vmem>>, vector<16xf32>,
        %mul3A_231 = arith.constant 32 : i32
        %mul3A_232 = arith.muli %add3A_59, %mul3A_231 : i32
        %mul3A_233 = arith.constant 13 : i32
        %mul3A_234 = arith.muli %convert_element_type3A_62, %mul3A_233 : i32
        %mul3A_235 = arith.constant 32 : i32
        %mul3A_236 = arith.muli %mul3A_234, %mul3A_235 : i32
        %add3A_237 = arith.addi %mul3A_232, %mul3A_236 : i32
        %multiple_of3A_238 = tpu.assume_multiple %add3A_237, 32 : i32
        %dma_start3A_239 = arith.constant 64 : i32
        %dma_start3A_240 = tpu.memref_slice %arg8[%dma_start3A_239] : memref<128xf32, #tpu.memory_space<vmem>> -> memref<64xf32, #tpu.memory_space<vmem>>
        %dma_start3A_241 = tpu.memref_slice %arg5[%multiple_of3A_238] : memref<2496xf32, #tpu.memory_space<hbm>> -> memref<64xf32, #tpu.memory_space<hbm>>
        %dma_start3A_242 = tpu.memref_slice %arg5[%multiple_of3A_238] : memref<2496xf32, #tpu.memory_space<hbm>> -> memref<64xf32, #tpu.memory_space<hbm>>
        %dma_start3A_243 = arith.constant 64 : i32
        %dma_start3A_244 = tpu.memref_slice %arg8[%dma_start3A_243] : memref<128xf32, #tpu.memory_space<vmem>> -> memref<64xf32, #tpu.memory_space<vmem>>
        tpu.enqueue_dma source(%dma_start3A_244 : memref<64xf32, #tpu.memory_space<vmem>>) target(%dma_start3A_242 : memref<64xf32, #tpu.memory_space<hbm>>) target_semaphore(%arg11 : memref<!tpu.dma_semaphore, #tpu.memory_space<semaphore_mem>>)
        %dma_wait3A_245 = arith.constant 0 : i32
        %dma_wait3A_246 = tpu.memref_slice %arg8[%dma_wait3A_245] : memref<128xf32, #tpu.memory_space<vmem>> -> memref<64xf32, #tpu.memory_space<vmem>>
        %dma_wait3A_247 = tpu.memref_slice %arg5[%multiple_of3A_194] : memref<2496xf32, #tpu.memory_space<hbm>> -> memref<64xf32, #tpu.memory_space<hbm>>
        %dma_wait3A_248 = tpu.memref_slice %arg5[%multiple_of3A_194] : memref<2496xf32, #tpu.memory_space<hbm>> -> memref<64xf32, #tpu.memory_space<hbm>>
        %dma_wait3A_249 = arith.constant 0 : i32
        %dma_wait3A_250 = tpu.memref_slice %arg8[%dma_wait3A_249] : memref<128xf32, #tpu.memory_space<vmem>> -> memref<64xf32, #tpu.memory_space<vmem>>
        tpu.wait_dma2 semaphore(%arg11 : memref<!tpu.dma_semaphore, #tpu.memory_space<semaphore_mem>>) src(%dma_wait3A_250 : memref<64xf32, #tpu.memory_space<vmem>>) dst(%dma_wait3A_248 : memref<64xf32, #tpu.memory_space<hbm>>)
        %dma_wait3A_251 = arith.constant 64 : i32
        %dma_wait3A_252 = tpu.memref_slice %arg8[%dma_wait3A_251] : memref<128xf32, #tpu.memory_space<vmem>> -> memref<64xf32, #tpu.memory_space<vmem>>
        %dma_wait3A_253 = tpu.memref_slice %arg5[%multiple_of3A_238] : memref<2496xf32, #tpu.memory_space<hbm>> -> memref<64xf32, #tpu.memory_space<hbm>>
        %dma_wait3A_254 = tpu.memref_slice %arg5[%multiple_of3A_238] : memref<2496xf32, #tpu.memory_space<hbm>> -> memref<64xf32, #tpu.memory_space<hbm>>
        %dma_wait3A_255 = arith.constant 64 : i32
        %dma_wait3A_256 = tpu.memref_slice %arg8[%dma_wait3A_255] : memref<128xf32, #tpu.memory_space<vmem>> -> memref<64xf32, #tpu.memory_space<vmem>>
        tpu.wait_dma2 semaphore(%arg11 : memref<!tpu.dma_semaphore, #tpu.memory_space<semaphore_mem>>) src(%dma_wait3A_256 : memref<64xf32, #tpu.memory_space<vmem>>) dst(%dma_wait3A_254 : memref<64xf32, #tpu.memory_space<hbm>>)
      } else {
      }
      %ge3A = arith.constant 13 : i32
      %ge3A_7 = arith.cmpi sge, %arg1, %ge3A : i32
      %convert_element_type3A_8 = arith.extui %ge3A_7 : i1 to i32
      %cond3A_9 = arith.constant 0 : i32
      %cond3A_10 = arith.cmpi ne, %convert_element_type3A_8, %cond3A_9 : i32
      scf.if %cond3A_10 {
        %sub3A = arith.constant 13 : i32
        %sub3A_11 = arith.subi %arg1, %sub3A : i32
        "tpu.region"() ({
          %run_scoped3A = tpu.sem_alloc : memref<!tpu.dma_semaphore, #tpu.memory_space<semaphore_mem>>
          tpu.enqueue_dma source(%arg4 : memref<13x1x32xf32, #tpu.memory_space<hbm>>) target(%arg7 : memref<13x1x32xf32, #tpu.memory_space<vmem>>) target_semaphore(%run_scoped3A : memref<!tpu.dma_semaphore, #tpu.memory_space<semaphore_mem>>)
          tpu.wait_dma2 semaphore(%run_scoped3A : memref<!tpu.dma_semaphore, #tpu.memory_space<semaphore_mem>>) src(%arg4 : memref<13x1x32xf32, #tpu.memory_space<hbm>>) dst(%arg7 : memref<13x1x32xf32, #tpu.memory_space<vmem>>)
          tpu.yield
        }) : () -> ()
        %broadcast_in_dim3A = vector.broadcast %sub3A_11 : i32 to vector<16xi32>
        %add3A = arith.constant 39 : i32
        %add3A_12 = vector.broadcast %add3A : i32 to vector<16xi32>
        %add3A_13 = arith.addi %iota3A, %add3A_12 : vector<16xi32>
        %sub3A_14 = arith.constant 16 : i32
        %sub3A_15 = vector.broadcast %sub3A_14 : i32 to vector<16xi32>
        %sub3A_16 = arith.subi %add3A_13, %sub3A_15 : vector<16xi32>
        %gather3A = tpu.vector_load_idx %arg6[%broadcast_in_dim3A, %sub3A_16] : memref<2x39xf32, #tpu.memory_space<vmem>>[vector<16xi32>, vector<16xi32>], vector<16xf32>,
        %broadcast_in_dim3A_17 = arith.constant 0 : i32
        %broadcast_in_dim3A_18 = vector.broadcast %broadcast_in_dim3A_17 : i32 to vector<16xi32>
        %slice3A = vector.extract_strided_slice %gather3A {offsets = [3], sizes = [1], strides = [1]} : vector<16xf32> to vector<1xf32>
        %squeeze3A = vector.extract %slice3A[0] : f32 from vector<1xf32>
        %broadcast_in_dim3A_19 = arith.constant 0 : i32
        %broadcast_in_dim3A_20 = vector.broadcast %broadcast_in_dim3A_19 : i32 to vector<16xi32>
        %add3A_21 = arith.constant 0 : i32
        %add3A_22 = vector.broadcast %add3A_21 : i32 to vector<16xi32>
        %add3A_23 = arith.addi %iota3A, %add3A_22 : vector<16xi32>
        %gather3A_24 = tpu.vector_load_idx %arg7[%broadcast_in_dim3A_20, %broadcast_in_dim3A_18, %add3A_23] : memref<13x1x32xf32, #tpu.memory_space<vmem>>[vector<16xi32>, vector<16xi32>, vector<16xi32>], vector<16xf32>,
        %mul3A = vector.broadcast %squeeze3A : f32 to vector<16xf32>
        %mul3A_25 = arith.mulf %mul3A, %gather3A_24 : vector<16xf32>
        %swap3A = arith.constant 0 : index
        %swap3A_26 = tpu.vector_load %arg9[%swap3A] {strides = array<i32>} : memref<416xf32, #tpu.memory_space<vmem>>, vector<16xf32>,
        tpu.vector_store %arg9[%swap3A], %mul3A_25 {strides = array<i32>} : memref<416xf32, #tpu.memory_space<vmem>>, vector<16xf32>,
        %add3A_27 = arith.constant 16 : i32
        %add3A_28 = vector.broadcast %add3A_27 : i32 to vector<16xi32>
        %add3A_29 = arith.addi %iota3A, %add3A_28 : vector<16xi32>
        %gather3A_30 = tpu.vector_load_idx %arg7[%broadcast_in_dim3A_20, %broadcast_in_dim3A_18, %add3A_29] : memref<13x1x32xf32, #tpu.memory_space<vmem>>[vector<16xi32>, vector<16xi32>, vector<16xi32>], vector<16xf32>,
        %mul3A_31 = vector.broadcast %squeeze3A : f32 to vector<16xf32>
        %mul3A_32 = arith.mulf %mul3A_31, %gather3A_30 : vector<16xf32>
        %swap3A_33 = arith.constant 16 : index
        %swap3A_34 = tpu.vector_load %arg9[%swap3A_33] {strides = array<i32>} : memref<416xf32, #tpu.memory_space<vmem>>, vector<16xf32>,
        tpu.vector_store %arg9[%swap3A_33], %mul3A_32 {strides = array<i32>} : memref<416xf32, #tpu.memory_space<vmem>>, vector<16xf32>,
        %slice3A_35 = vector.extract_strided_slice %gather3A {offsets = [4], sizes = [1], strides = [1]} : vector<16xf32> to vector<1xf32>
        %squeeze3A_36 = vector.extract %slice3A_35[0] : f32 from vector<1xf32>
        %broadcast_in_dim3A_37 = arith.constant 1 : i32
        %broadcast_in_dim3A_38 = vector.broadcast %broadcast_in_dim3A_37 : i32 to vector<16xi32>
        %add3A_39 = arith.constant 0 : i32
        %add3A_40 = vector.broadcast %add3A_39 : i32 to vector<16xi32>
        %add3A_41 = arith.addi %iota3A, %add3A_40 : vector<16xi32>
        %gather3A_42 = tpu.vector_load_idx %arg7[%broadcast_in_dim3A_38, %broadcast_in_dim3A_18, %add3A_41] : memref<13x1x32xf32, #tpu.memory_space<vmem>>[vector<16xi32>, vector<16xi32>, vector<16xi32>], vector<16xf32>,
        %mul3A_43 = vector.broadcast %squeeze3A_36 : f32 to vector<16xf32>
        %mul3A_44 = arith.mulf %mul3A_43, %gather3A_42 : vector<16xf32>
        %swap3A_45 = arith.constant 32 : index
        %swap3A_46 = tpu.vector_load %arg9[%swap3A_45] {strides = array<i32>} : memref<416xf32, #tpu.memory_space<vmem>>, vector<16xf32>,
        tpu.vector_store %arg9[%swap3A_45], %mul3A_44 {strides = array<i32>} : memref<416xf32, #tpu.memory_space<vmem>>, vector<16xf32>,
        %add3A_47 = arith.constant 16 : i32
        %add3A_48 = vector.broadcast %add3A_47 : i32 to vector<16xi32>
        %add3A_49 = arith.addi %iota3A, %add3A_48 : vector<16xi32>
        %gather3A_50 = tpu.vector_load_idx %arg7[%broadcast_in_dim3A_38, %broadcast_in_dim3A_18, %add3A_49] : memref<13x1x32xf32, #tpu.memory_space<vmem>>[vector<16xi32>, vector<16xi32>, vector<16xi32>], vector<16xf32>,
        %mul3A_51 = vector.broadcast %squeeze3A_36 : f32 to vector<16xf32>
        %mul3A_52 = arith.mulf %mul3A_51, %gather3A_50 : vector<16xf32>
        %swap3A_53 = arith.constant 48 : index
        %swap3A_54 = tpu.vector_load %arg9[%swap3A_53] {strides = array<i32>} : memref<416xf32, #tpu.memory_space<vmem>>, vector<16xf32>,
        tpu.vector_store %arg9[%swap3A_53], %mul3A_52 {strides = array<i32>} : memref<416xf32, #tpu.memory_space<vmem>>, vector<16xf32>,
        %slice3A_55 = vector.extract_strided_slice %gather3A {offsets = [5], sizes = [1], strides = [1]} : vector<16xf32> to vector<1xf32>
        %squeeze3A_56 = vector.extract %slice3A_55[0] : f32 from vector<1xf32>
        %broadcast_in_dim3A_57 = arith.constant 2 : i32
        %broadcast_in_dim3A_58 = vector.broadcast %broadcast_in_dim3A_57 : i32 to vector<16xi32>
        %add3A_59 = arith.constant 0 : i32
        %add3A_60 = vector.broadcast %add3A_59 : i32 to vector<16xi32>
        %add3A_61 = arith.addi %iota3A, %add3A_60 : vector<16xi32>
        %gather3A_62 = tpu.vector_load_idx %arg7[%broadcast_in_dim3A_58, %broadcast_in_dim3A_18, %add3A_61] : memref<13x1x32xf32, #tpu.memory_space<vmem>>[vector<16xi32>, vector<16xi32>, vector<16xi32>], vector<16xf32>,
        %mul3A_63 = vector.broadcast %squeeze3A_56 : f32 to vector<16xf32>
        %mul3A_64 = arith.mulf %mul3A_63, %gather3A_62 : vector<16xf32>
        %swap3A_65 = arith.constant 64 : index
        %swap3A_66 = tpu.vector_load %arg9[%swap3A_65] {strides = array<i32>} : memref<416xf32, #tpu.memory_space<vmem>>, vector<16xf32>,
        tpu.vector_store %arg9[%swap3A_65], %mul3A_64 {strides = array<i32>} : memref<416xf32, #tpu.memory_space<vmem>>, vector<16xf32>,
        %add3A_67 = arith.constant 16 : i32
        %add3A_68 = vector.broadcast %add3A_67 : i32 to vector<16xi32>
        %add3A_69 = arith.addi %iota3A, %add3A_68 : vector<16xi32>
        %gather3A_70 = tpu.vector_load_idx %arg7[%broadcast_in_dim3A_58, %broadcast_in_dim3A_18, %add3A_69] : memref<13x1x32xf32, #tpu.memory_space<vmem>>[vector<16xi32>, vector<16xi32>, vector<16xi32>], vector<16xf32>,
        %mul3A_71 = vector.broadcast %squeeze3A_56 : f32 to vector<16xf32>
        %mul3A_72 = arith.mulf %mul3A_71, %gather3A_70 : vector<16xf32>
        %swap3A_73 = arith.constant 80 : index
        %swap3A_74 = tpu.vector_load %arg9[%swap3A_73] {strides = array<i32>} : memref<416xf32, #tpu.memory_space<vmem>>, vector<16xf32>,
        tpu.vector_store %arg9[%swap3A_73], %mul3A_72 {strides = array<i32>} : memref<416xf32, #tpu.memory_space<vmem>>, vector<16xf32>,
        %slice3A_75 = vector.extract_strided_slice %gather3A {offsets = [6], sizes = [1], strides = [1]} : vector<16xf32> to vector<1xf32>
        %squeeze3A_76 = vector.extract %slice3A_75[0] : f32 from vector<1xf32>
        %broadcast_in_dim3A_77 = arith.constant 3 : i32
        %broadcast_in_dim3A_78 = vector.broadcast %broadcast_in_dim3A_77 : i32 to vector<16xi32>
        %add3A_79 = arith.constant 0 : i32
        %add3A_80 = vector.broadcast %add3A_79 : i32 to vector<16xi32>
        %add3A_81 = arith.addi %iota3A, %add3A_80 : vector<16xi32>
        %gather3A_82 = tpu.vector_load_idx %arg7[%broadcast_in_dim3A_78, %broadcast_in_dim3A_18, %add3A_81] : memref<13x1x32xf32, #tpu.memory_space<vmem>>[vector<16xi32>, vector<16xi32>, vector<16xi32>], vector<16xf32>,
        %mul3A_83 = vector.broadcast %squeeze3A_76 : f32 to vector<16xf32>
        %mul3A_84 = arith.mulf %mul3A_83, %gather3A_82 : vector<16xf32>
        %swap3A_85 = arith.constant 96 : index
        %swap3A_86 = tpu.vector_load %arg9[%swap3A_85] {strides = array<i32>} : memref<416xf32, #tpu.memory_space<vmem>>, vector<16xf32>,
        tpu.vector_store %arg9[%swap3A_85], %mul3A_84 {strides = array<i32>} : memref<416xf32, #tpu.memory_space<vmem>>, vector<16xf32>,
        %add3A_87 = arith.constant 16 : i32
        %add3A_88 = vector.broadcast %add3A_87 : i32 to vector<16xi32>
        %add3A_89 = arith.addi %iota3A, %add3A_88 : vector<16xi32>
        %gather3A_90 = tpu.vector_load_idx %arg7[%broadcast_in_dim3A_78, %broadcast_in_dim3A_18, %add3A_89] : memref<13x1x32xf32, #tpu.memory_space<vmem>>[vector<16xi32>, vector<16xi32>, vector<16xi32>], vector<16xf32>,
        %mul3A_91 = vector.broadcast %squeeze3A_76 : f32 to vector<16xf32>
        %mul3A_92 = arith.mulf %mul3A_91, %gather3A_90 : vector<16xf32>
        %swap3A_93 = arith.constant 112 : index
        %swap3A_94 = tpu.vector_load %arg9[%swap3A_93] {strides = array<i32>} : memref<416xf32, #tpu.memory_space<vmem>>, vector<16xf32>,
        tpu.vector_store %arg9[%swap3A_93], %mul3A_92 {strides = array<i32>} : memref<416xf32, #tpu.memory_space<vmem>>, vector<16xf32>,
        %slice3A_95 = vector.extract_strided_slice %gather3A {offsets = [7], sizes = [1], strides = [1]} : vector<16xf32> to vector<1xf32>
        %squeeze3A_96 = vector.extract %slice3A_95[0] : f32 from vector<1xf32>
        %broadcast_in_dim3A_97 = arith.constant 4 : i32
        %broadcast_in_dim3A_98 = vector.broadcast %broadcast_in_dim3A_97 : i32 to vector<16xi32>
        %add3A_99 = arith.constant 0 : i32
        %add3A_100 = vector.broadcast %add3A_99 : i32 to vector<16xi32>
        %add3A_101 = arith.addi %iota3A, %add3A_100 : vector<16xi32>
        %gather3A_102 = tpu.vector_load_idx %arg7[%broadcast_in_dim3A_98, %broadcast_in_dim3A_18, %add3A_101] : memref<13x1x32xf32, #tpu.memory_space<vmem>>[vector<16xi32>, vector<16xi32>, vector<16xi32>], vector<16xf32>,
        %mul3A_103 = vector.broadcast %squeeze3A_96 : f32 to vector<16xf32>
        %mul3A_104 = arith.mulf %mul3A_103, %gather3A_102 : vector<16xf32>
        %swap3A_105 = arith.constant 128 : index
        %swap3A_106 = tpu.vector_load %arg9[%swap3A_105] {strides = array<i32>} : memref<416xf32, #tpu.memory_space<vmem>>, vector<16xf32>,
        tpu.vector_store %arg9[%swap3A_105], %mul3A_104 {strides = array<i32>} : memref<416xf32, #tpu.memory_space<vmem>>, vector<16xf32>,
        %add3A_107 = arith.constant 16 : i32
        %add3A_108 = vector.broadcast %add3A_107 : i32 to vector<16xi32>
        %add3A_109 = arith.addi %iota3A, %add3A_108 : vector<16xi32>
        %gather3A_110 = tpu.vector_load_idx %arg7[%broadcast_in_dim3A_98, %broadcast_in_dim3A_18, %add3A_109] : memref<13x1x32xf32, #tpu.memory_space<vmem>>[vector<16xi32>, vector<16xi32>, vector<16xi32>], vector<16xf32>,
        %mul3A_111 = vector.broadcast %squeeze3A_96 : f32 to vector<16xf32>
        %mul3A_112 = arith.mulf %mul3A_111, %gather3A_110 : vector<16xf32>
        %swap3A_113 = arith.constant 144 : index
        %swap3A_114 = tpu.vector_load %arg9[%swap3A_113] {strides = array<i32>} : memref<416xf32, #tpu.memory_space<vmem>>, vector<16xf32>,
        tpu.vector_store %arg9[%swap3A_113], %mul3A_112 {strides = array<i32>} : memref<416xf32, #tpu.memory_space<vmem>>, vector<16xf32>,
        %slice3A_115 = vector.extract_strided_slice %gather3A {offsets = [8], sizes = [1], strides = [1]} : vector<16xf32> to vector<1xf32>
        %squeeze3A_116 = vector.extract %slice3A_115[0] : f32 from vector<1xf32>
        %broadcast_in_dim3A_117 = arith.constant 5 : i32
        %broadcast_in_dim3A_118 = vector.broadcast %broadcast_in_dim3A_117 : i32 to vector<16xi32>
        %add3A_119 = arith.constant 0 : i32
        %add3A_120 = vector.broadcast %add3A_119 : i32 to vector<16xi32>
        %add3A_121 = arith.addi %iota3A, %add3A_120 : vector<16xi32>
        %gather3A_122 = tpu.vector_load_idx %arg7[%broadcast_in_dim3A_118, %broadcast_in_dim3A_18, %add3A_121] : memref<13x1x32xf32, #tpu.memory_space<vmem>>[vector<16xi32>, vector<16xi32>, vector<16xi32>], vector<16xf32>,
        %mul3A_123 = vector.broadcast %squeeze3A_116 : f32 to vector<16xf32>
        %mul3A_124 = arith.mulf %mul3A_123, %gather3A_122 : vector<16xf32>
        %swap3A_125 = arith.constant 160 : index
        %swap3A_126 = tpu.vector_load %arg9[%swap3A_125] {strides = array<i32>} : memref<416xf32, #tpu.memory_space<vmem>>, vector<16xf32>,
        tpu.vector_store %arg9[%swap3A_125], %mul3A_124 {strides = array<i32>} : memref<416xf32, #tpu.memory_space<vmem>>, vector<16xf32>,
        %add3A_127 = arith.constant 16 : i32
        %add3A_128 = vector.broadcast %add3A_127 : i32 to vector<16xi32>
        %add3A_129 = arith.addi %iota3A, %add3A_128 : vector<16xi32>
        %gather3A_130 = tpu.vector_load_idx %arg7[%broadcast_in_dim3A_118, %broadcast_in_dim3A_18, %add3A_129] : memref<13x1x32xf32, #tpu.memory_space<vmem>>[vector<16xi32>, vector<16xi32>, vector<16xi32>], vector<16xf32>,
        %mul3A_131 = vector.broadcast %squeeze3A_116 : f32 to vector<16xf32>
        %mul3A_132 = arith.mulf %mul3A_131, %gather3A_130 : vector<16xf32>
        %swap3A_133 = arith.constant 176 : index
        %swap3A_134 = tpu.vector_load %arg9[%swap3A_133] {strides = array<i32>} : memref<416xf32, #tpu.memory_space<vmem>>, vector<16xf32>,
        tpu.vector_store %arg9[%swap3A_133], %mul3A_132 {strides = array<i32>} : memref<416xf32, #tpu.memory_space<vmem>>, vector<16xf32>,
        %slice3A_135 = vector.extract_strided_slice %gather3A {offsets = [9], sizes = [1], strides = [1]} : vector<16xf32> to vector<1xf32>
        %squeeze3A_136 = vector.extract %slice3A_135[0] : f32 from vector<1xf32>
        %broadcast_in_dim3A_137 = arith.constant 6 : i32
        %broadcast_in_dim3A_138 = vector.broadcast %broadcast_in_dim3A_137 : i32 to vector<16xi32>
        %add3A_139 = arith.constant 0 : i32
        %add3A_140 = vector.broadcast %add3A_139 : i32 to vector<16xi32>
        %add3A_141 = arith.addi %iota3A, %add3A_140 : vector<16xi32>
        %gather3A_142 = tpu.vector_load_idx %arg7[%broadcast_in_dim3A_138, %broadcast_in_dim3A_18, %add3A_141] : memref<13x1x32xf32, #tpu.memory_space<vmem>>[vector<16xi32>, vector<16xi32>, vector<16xi32>], vector<16xf32>,
        %mul3A_143 = vector.broadcast %squeeze3A_136 : f32 to vector<16xf32>
        %mul3A_144 = arith.mulf %mul3A_143, %gather3A_142 : vector<16xf32>
        %swap3A_145 = arith.constant 192 : index
        %swap3A_146 = tpu.vector_load %arg9[%swap3A_145] {strides = array<i32>} : memref<416xf32, #tpu.memory_space<vmem>>, vector<16xf32>,
        tpu.vector_store %arg9[%swap3A_145], %mul3A_144 {strides = array<i32>} : memref<416xf32, #tpu.memory_space<vmem>>, vector<16xf32>,
        %add3A_147 = arith.constant 16 : i32
        %add3A_148 = vector.broadcast %add3A_147 : i32 to vector<16xi32>
        %add3A_149 = arith.addi %iota3A, %add3A_148 : vector<16xi32>
        %gather3A_150 = tpu.vector_load_idx %arg7[%broadcast_in_dim3A_138, %broadcast_in_dim3A_18, %add3A_149] : memref<13x1x32xf32, #tpu.memory_space<vmem>>[vector<16xi32>, vector<16xi32>, vector<16xi32>], vector<16xf32>,
        %mul3A_151 = vector.broadcast %squeeze3A_136 : f32 to vector<16xf32>
        %mul3A_152 = arith.mulf %mul3A_151, %gather3A_150 : vector<16xf32>
        %swap3A_153 = arith.constant 208 : index
        %swap3A_154 = tpu.vector_load %arg9[%swap3A_153] {strides = array<i32>} : memref<416xf32, #tpu.memory_space<vmem>>, vector<16xf32>,
        tpu.vector_store %arg9[%swap3A_153], %mul3A_152 {strides = array<i32>} : memref<416xf32, #tpu.memory_space<vmem>>, vector<16xf32>,
        %slice3A_155 = vector.extract_strided_slice %gather3A {offsets = [10], sizes = [1], strides = [1]} : vector<16xf32> to vector<1xf32>
        %squeeze3A_156 = vector.extract %slice3A_155[0] : f32 from vector<1xf32>
        %broadcast_in_dim3A_157 = arith.constant 7 : i32
        %broadcast_in_dim3A_158 = vector.broadcast %broadcast_in_dim3A_157 : i32 to vector<16xi32>
        %add3A_159 = arith.constant 0 : i32
        %add3A_160 = vector.broadcast %add3A_159 : i32 to vector<16xi32>
        %add3A_161 = arith.addi %iota3A, %add3A_160 : vector<16xi32>
        %gather3A_162 = tpu.vector_load_idx %arg7[%broadcast_in_dim3A_158, %broadcast_in_dim3A_18, %add3A_161] : memref<13x1x32xf32, #tpu.memory_space<vmem>>[vector<16xi32>, vector<16xi32>, vector<16xi32>], vector<16xf32>,
        %mul3A_163 = vector.broadcast %squeeze3A_156 : f32 to vector<16xf32>
        %mul3A_164 = arith.mulf %mul3A_163, %gather3A_162 : vector<16xf32>
        %swap3A_165 = arith.constant 224 : index
        %swap3A_166 = tpu.vector_load %arg9[%swap3A_165] {strides = array<i32>} : memref<416xf32, #tpu.memory_space<vmem>>, vector<16xf32>,
        tpu.vector_store %arg9[%swap3A_165], %mul3A_164 {strides = array<i32>} : memref<416xf32, #tpu.memory_space<vmem>>, vector<16xf32>,
        %add3A_167 = arith.constant 16 : i32
        %add3A_168 = vector.broadcast %add3A_167 : i32 to vector<16xi32>
        %add3A_169 = arith.addi %iota3A, %add3A_168 : vector<16xi32>
        %gather3A_170 = tpu.vector_load_idx %arg7[%broadcast_in_dim3A_158, %broadcast_in_dim3A_18, %add3A_169] : memref<13x1x32xf32, #tpu.memory_space<vmem>>[vector<16xi32>, vector<16xi32>, vector<16xi32>], vector<16xf32>,
        %mul3A_171 = vector.broadcast %squeeze3A_156 : f32 to vector<16xf32>
        %mul3A_172 = arith.mulf %mul3A_171, %gather3A_170 : vector<16xf32>
        %swap3A_173 = arith.constant 240 : index
        %swap3A_174 = tpu.vector_load %arg9[%swap3A_173] {strides = array<i32>} : memref<416xf32, #tpu.memory_space<vmem>>, vector<16xf32>,
        tpu.vector_store %arg9[%swap3A_173], %mul3A_172 {strides = array<i32>} : memref<416xf32, #tpu.memory_space<vmem>>, vector<16xf32>,
        %slice3A_175 = vector.extract_strided_slice %gather3A {offsets = [11], sizes = [1], strides = [1]} : vector<16xf32> to vector<1xf32>
        %squeeze3A_176 = vector.extract %slice3A_175[0] : f32 from vector<1xf32>
        %broadcast_in_dim3A_177 = arith.constant 8 : i32
        %broadcast_in_dim3A_178 = vector.broadcast %broadcast_in_dim3A_177 : i32 to vector<16xi32>
        %add3A_179 = arith.constant 0 : i32
        %add3A_180 = vector.broadcast %add3A_179 : i32 to vector<16xi32>
        %add3A_181 = arith.addi %iota3A, %add3A_180 : vector<16xi32>
        %gather3A_182 = tpu.vector_load_idx %arg7[%broadcast_in_dim3A_178, %broadcast_in_dim3A_18, %add3A_181] : memref<13x1x32xf32, #tpu.memory_space<vmem>>[vector<16xi32>, vector<16xi32>, vector<16xi32>], vector<16xf32>,
        %mul3A_183 = vector.broadcast %squeeze3A_176 : f32 to vector<16xf32>
        %mul3A_184 = arith.mulf %mul3A_183, %gather3A_182 : vector<16xf32>
        %swap3A_185 = arith.constant 256 : index
        %swap3A_186 = tpu.vector_load %arg9[%swap3A_185] {strides = array<i32>} : memref<416xf32, #tpu.memory_space<vmem>>, vector<16xf32>,
        tpu.vector_store %arg9[%swap3A_185], %mul3A_184 {strides = array<i32>} : memref<416xf32, #tpu.memory_space<vmem>>, vector<16xf32>,
        %add3A_187 = arith.constant 16 : i32
        %add3A_188 = vector.broadcast %add3A_187 : i32 to vector<16xi32>
        %add3A_189 = arith.addi %iota3A, %add3A_188 : vector<16xi32>
        %gather3A_190 = tpu.vector_load_idx %arg7[%broadcast_in_dim3A_178, %broadcast_in_dim3A_18, %add3A_189] : memref<13x1x32xf32, #tpu.memory_space<vmem>>[vector<16xi32>, vector<16xi32>, vector<16xi32>], vector<16xf32>,
        %mul3A_191 = vector.broadcast %squeeze3A_176 : f32 to vector<16xf32>
        %mul3A_192 = arith.mulf %mul3A_191, %gather3A_190 : vector<16xf32>
        %swap3A_193 = arith.constant 272 : index
        %swap3A_194 = tpu.vector_load %arg9[%swap3A_193] {strides = array<i32>} : memref<416xf32, #tpu.memory_space<vmem>>, vector<16xf32>,
        tpu.vector_store %arg9[%swap3A_193], %mul3A_192 {strides = array<i32>} : memref<416xf32, #tpu.memory_space<vmem>>, vector<16xf32>,
        %slice3A_195 = vector.extract_strided_slice %gather3A {offsets = [12], sizes = [1], strides = [1]} : vector<16xf32> to vector<1xf32>
        %squeeze3A_196 = vector.extract %slice3A_195[0] : f32 from vector<1xf32>
        %broadcast_in_dim3A_197 = arith.constant 9 : i32
        %broadcast_in_dim3A_198 = vector.broadcast %broadcast_in_dim3A_197 : i32 to vector<16xi32>
        %add3A_199 = arith.constant 0 : i32
        %add3A_200 = vector.broadcast %add3A_199 : i32 to vector<16xi32>
        %add3A_201 = arith.addi %iota3A, %add3A_200 : vector<16xi32>
        %gather3A_202 = tpu.vector_load_idx %arg7[%broadcast_in_dim3A_198, %broadcast_in_dim3A_18, %add3A_201] : memref<13x1x32xf32, #tpu.memory_space<vmem>>[vector<16xi32>, vector<16xi32>, vector<16xi32>], vector<16xf32>,
        %mul3A_203 = vector.broadcast %squeeze3A_196 : f32 to vector<16xf32>
        %mul3A_204 = arith.mulf %mul3A_203, %gather3A_202 : vector<16xf32>
        %swap3A_205 = arith.constant 288 : index
        %swap3A_206 = tpu.vector_load %arg9[%swap3A_205] {strides = array<i32>} : memref<416xf32, #tpu.memory_space<vmem>>, vector<16xf32>,
        tpu.vector_store %arg9[%swap3A_205], %mul3A_204 {strides = array<i32>} : memref<416xf32, #tpu.memory_space<vmem>>, vector<16xf32>,
        %add3A_207 = arith.constant 16 : i32
        %add3A_208 = vector.broadcast %add3A_207 : i32 to vector<16xi32>
        %add3A_209 = arith.addi %iota3A, %add3A_208 : vector<16xi32>
        %gather3A_210 = tpu.vector_load_idx %arg7[%broadcast_in_dim3A_198, %broadcast_in_dim3A_18, %add3A_209] : memref<13x1x32xf32, #tpu.memory_space<vmem>>[vector<16xi32>, vector<16xi32>, vector<16xi32>], vector<16xf32>,
        %mul3A_211 = vector.broadcast %squeeze3A_196 : f32 to vector<16xf32>
        %mul3A_212 = arith.mulf %mul3A_211, %gather3A_210 : vector<16xf32>
        %swap3A_213 = arith.constant 304 : index
        %swap3A_214 = tpu.vector_load %arg9[%swap3A_213] {strides = array<i32>} : memref<416xf32, #tpu.memory_space<vmem>>, vector<16xf32>,
        tpu.vector_store %arg9[%swap3A_213], %mul3A_212 {strides = array<i32>} : memref<416xf32, #tpu.memory_space<vmem>>, vector<16xf32>,
        %slice3A_215 = vector.extract_strided_slice %gather3A {offsets = [13], sizes = [1], strides = [1]} : vector<16xf32> to vector<1xf32>
        %squeeze3A_216 = vector.extract %slice3A_215[0] : f32 from vector<1xf32>
        %broadcast_in_dim3A_217 = arith.constant 10 : i32
        %broadcast_in_dim3A_218 = vector.broadcast %broadcast_in_dim3A_217 : i32 to vector<16xi32>
        %add3A_219 = arith.constant 0 : i32
        %add3A_220 = vector.broadcast %add3A_219 : i32 to vector<16xi32>
        %add3A_221 = arith.addi %iota3A, %add3A_220 : vector<16xi32>
        %gather3A_222 = tpu.vector_load_idx %arg7[%broadcast_in_dim3A_218, %broadcast_in_dim3A_18, %add3A_221] : memref<13x1x32xf32, #tpu.memory_space<vmem>>[vector<16xi32>, vector<16xi32>, vector<16xi32>], vector<16xf32>,
        %mul3A_223 = vector.broadcast %squeeze3A_216 : f32 to vector<16xf32>
        %mul3A_224 = arith.mulf %mul3A_223, %gather3A_222 : vector<16xf32>
        %swap3A_225 = arith.constant 320 : index
        %swap3A_226 = tpu.vector_load %arg9[%swap3A_225] {strides = array<i32>} : memref<416xf32, #tpu.memory_space<vmem>>, vector<16xf32>,
        tpu.vector_store %arg9[%swap3A_225], %mul3A_224 {strides = array<i32>} : memref<416xf32, #tpu.memory_space<vmem>>, vector<16xf32>,
        %add3A_227 = arith.constant 16 : i32
        %add3A_228 = vector.broadcast %add3A_227 : i32 to vector<16xi32>
        %add3A_229 = arith.addi %iota3A, %add3A_228 : vector<16xi32>
        %gather3A_230 = tpu.vector_load_idx %arg7[%broadcast_in_dim3A_218, %broadcast_in_dim3A_18, %add3A_229] : memref<13x1x32xf32, #tpu.memory_space<vmem>>[vector<16xi32>, vector<16xi32>, vector<16xi32>], vector<16xf32>,
        %mul3A_231 = vector.broadcast %squeeze3A_216 : f32 to vector<16xf32>
        %mul3A_232 = arith.mulf %mul3A_231, %gather3A_230 : vector<16xf32>
        %swap3A_233 = arith.constant 336 : index
        %swap3A_234 = tpu.vector_load %arg9[%swap3A_233] {strides = array<i32>} : memref<416xf32, #tpu.memory_space<vmem>>, vector<16xf32>,
        tpu.vector_store %arg9[%swap3A_233], %mul3A_232 {strides = array<i32>} : memref<416xf32, #tpu.memory_space<vmem>>, vector<16xf32>,
        %slice3A_235 = vector.extract_strided_slice %gather3A {offsets = [14], sizes = [1], strides = [1]} : vector<16xf32> to vector<1xf32>
        %squeeze3A_236 = vector.extract %slice3A_235[0] : f32 from vector<1xf32>
        %broadcast_in_dim3A_237 = arith.constant 11 : i32
        %broadcast_in_dim3A_238 = vector.broadcast %broadcast_in_dim3A_237 : i32 to vector<16xi32>
        %add3A_239 = arith.constant 0 : i32
        %add3A_240 = vector.broadcast %add3A_239 : i32 to vector<16xi32>
        %add3A_241 = arith.addi %iota3A, %add3A_240 : vector<16xi32>
        %gather3A_242 = tpu.vector_load_idx %arg7[%broadcast_in_dim3A_238, %broadcast_in_dim3A_18, %add3A_241] : memref<13x1x32xf32, #tpu.memory_space<vmem>>[vector<16xi32>, vector<16xi32>, vector<16xi32>], vector<16xf32>,
        %mul3A_243 = vector.broadcast %squeeze3A_236 : f32 to vector<16xf32>
        %mul3A_244 = arith.mulf %mul3A_243, %gather3A_242 : vector<16xf32>
        %swap3A_245 = arith.constant 352 : index
        %swap3A_246 = tpu.vector_load %arg9[%swap3A_245] {strides = array<i32>} : memref<416xf32, #tpu.memory_space<vmem>>, vector<16xf32>,
        tpu.vector_store %arg9[%swap3A_245], %mul3A_244 {strides = array<i32>} : memref<416xf32, #tpu.memory_space<vmem>>, vector<16xf32>,
        %add3A_247 = arith.constant 16 : i32
        %add3A_248 = vector.broadcast %add3A_247 : i32 to vector<16xi32>
        %add3A_249 = arith.addi %iota3A, %add3A_248 : vector<16xi32>
        %gather3A_250 = tpu.vector_load_idx %arg7[%broadcast_in_dim3A_238, %broadcast_in_dim3A_18, %add3A_249] : memref<13x1x32xf32, #tpu.memory_space<vmem>>[vector<16xi32>, vector<16xi32>, vector<16xi32>], vector<16xf32>,
        %mul3A_251 = vector.broadcast %squeeze3A_236 : f32 to vector<16xf32>
        %mul3A_252 = arith.mulf %mul3A_251, %gather3A_250 : vector<16xf32>
        %swap3A_253 = arith.constant 368 : index
        %swap3A_254 = tpu.vector_load %arg9[%swap3A_253] {strides = array<i32>} : memref<416xf32, #tpu.memory_space<vmem>>, vector<16xf32>,
        tpu.vector_store %arg9[%swap3A_253], %mul3A_252 {strides = array<i32>} : memref<416xf32, #tpu.memory_space<vmem>>, vector<16xf32>,
        %slice3A_255 = vector.extract_strided_slice %gather3A {offsets = [15], sizes = [1], strides = [1]} : vector<16xf32> to vector<1xf32>
        %squeeze3A_256 = vector.extract %slice3A_255[0] : f32 from vector<1xf32>
        %broadcast_in_dim3A_257 = arith.constant 12 : i32
        %broadcast_in_dim3A_258 = vector.broadcast %broadcast_in_dim3A_257 : i32 to vector<16xi32>
        %add3A_259 = arith.constant 0 : i32
        %add3A_260 = vector.broadcast %add3A_259 : i32 to vector<16xi32>
        %add3A_261 = arith.addi %iota3A, %add3A_260 : vector<16xi32>
        %gather3A_262 = tpu.vector_load_idx %arg7[%broadcast_in_dim3A_258, %broadcast_in_dim3A_18, %add3A_261] : memref<13x1x32xf32, #tpu.memory_space<vmem>>[vector<16xi32>, vector<16xi32>, vector<16xi32>], vector<16xf32>,
        %mul3A_263 = vector.broadcast %squeeze3A_256 : f32 to vector<16xf32>
        %mul3A_264 = arith.mulf %mul3A_263, %gather3A_262 : vector<16xf32>
        %swap3A_265 = arith.constant 384 : index
        %swap3A_266 = tpu.vector_load %arg9[%swap3A_265] {strides = array<i32>} : memref<416xf32, #tpu.memory_space<vmem>>, vector<16xf32>,
        tpu.vector_store %arg9[%swap3A_265], %mul3A_264 {strides = array<i32>} : memref<416xf32, #tpu.memory_space<vmem>>, vector<16xf32>,
        %add3A_267 = arith.constant 16 : i32
        %add3A_268 = vector.broadcast %add3A_267 : i32 to vector<16xi32>
        %add3A_269 = arith.addi %iota3A, %add3A_268 : vector<16xi32>
        %gather3A_270 = tpu.vector_load_idx %arg7[%broadcast_in_dim3A_258, %broadcast_in_dim3A_18, %add3A_269] : memref<13x1x32xf32, #tpu.memory_space<vmem>>[vector<16xi32>, vector<16xi32>, vector<16xi32>], vector<16xf32>,
        %mul3A_271 = vector.broadcast %squeeze3A_256 : f32 to vector<16xf32>
        %mul3A_272 = arith.mulf %mul3A_271, %gather3A_270 : vector<16xf32>
        %swap3A_273 = arith.constant 400 : index
        %swap3A_274 = tpu.vector_load %arg9[%swap3A_273] {strides = array<i32>} : memref<416xf32, #tpu.memory_space<vmem>>, vector<16xf32>,
        tpu.vector_store %arg9[%swap3A_273], %mul3A_272 {strides = array<i32>} : memref<416xf32, #tpu.memory_space<vmem>>, vector<16xf32>,
        %mul3A_275 = arith.constant 39 : i32
        %mul3A_276 = arith.muli %sub3A_11, %mul3A_275 : i32
        %add3A_277 = arith.constant 26 : i32
        %add3A_278 = arith.addi %mul3A_276, %add3A_277 : i32
        %mul3A_279 = arith.constant 32 : i32
        %mul3A_280 = arith.muli %add3A_278, %mul3A_279 : i32
        %multiple_of3A = tpu.assume_multiple %mul3A_280, 16 : i32
        "tpu.region"() ({
          %run_scoped3A = tpu.sem_alloc : memref<!tpu.dma_semaphore, #tpu.memory_space<semaphore_mem>>
          %dma_start3A = tpu.memref_slice %arg5[%multiple_of3A] : memref<2496xf32, #tpu.memory_space<hbm>> -> memref<416xf32, #tpu.memory_space<hbm>>
          %dma_start3A_281 = tpu.memref_slice %arg5[%multiple_of3A] : memref<2496xf32, #tpu.memory_space<hbm>> -> memref<416xf32, #tpu.memory_space<hbm>>
          tpu.enqueue_dma source(%arg9 : memref<416xf32, #tpu.memory_space<vmem>>) target(%dma_start3A_281 : memref<416xf32, #tpu.memory_space<hbm>>) target_semaphore(%run_scoped3A : memref<!tpu.dma_semaphore, #tpu.memory_space<semaphore_mem>>)
          %dma_wait3A = tpu.memref_slice %arg5[%multiple_of3A] : memref<2496xf32, #tpu.memory_space<hbm>> -> memref<416xf32, #tpu.memory_space<hbm>>
          %dma_wait3A_282 = tpu.memref_slice %arg5[%multiple_of3A] : memref<2496xf32, #tpu.memory_space<hbm>> -> memref<416xf32, #tpu.memory_space<hbm>>
          tpu.wait_dma2 semaphore(%run_scoped3A : memref<!tpu.dma_semaphore, #tpu.memory_space<semaphore_mem>>) src(%arg9 : memref<416xf32, #tpu.memory_space<vmem>>) dst(%dma_wait3A_282 : memref<416xf32, #tpu.memory_space<hbm>>)
          tpu.yield
        }) : () -> ()
      } else {
      }
    } else {
    }
    return
  }
}

</mosaic_0001>

<sc_bundles>
// kernel: kernel.3.cloned.1.call-start
scs
__scs_entry_jumppad:
0x0: {  	(pc) =	sbr.rel $0x88, $3  }
0x1: {  	(tag) =	ssettag $0x0;
	lr =	simm.s32 $0x1  }
0x2: {  	[smem:$0x3F9E] =	sst lr;
	_ =	strace $0xD0000000  }
0x3: {  	_ = 	snop  }
0x4: {  	_ = 	snop  }
0x5: {  	_ = 	snop  }
0x6: {  	_ = 	snop  }
0x7: {  	_ = 	snop  }
__scs_overlays_trampoline_lowered:
0x8: {  	[smem:$0x3FAD] =	sst s0  }
0x9: {  	[smem:$0x3FAE] =	sst s1  }
0xa: {  	[smem:$0x3FAF] =	sst s2  }
0xb: {  	[smem:$0x3FB0] =	sst s3  }
0xc: {  	[smem:$0x3FB1] =	sst s4  }
0xd: {  	[smem:$0x3FB2] =	sst s5  }
0xe: {  	[smem:$0x3FB3] =	sst s6  }
0xf: {  	[smem:$0x3FB4] =	sst s7  }
0x10: {  	[smem:$0x3FB5] =	sst s8  }
0x11: {  	[smem:$0x3FB6] =	sst s9;
	s0 =	simm.s32 @!p0 $0x0  }
0x12: {  	s1 =	sld [smem:$0x3F9C];
	s0 =	simm.s32 @p0 $0x1  }
0x13: {  	[smem:$0x3FB7] =	sst s0;
	s0 =	simm.s32 @!p1 $0x0  }
0x14: {  	s2 =	sld [smem:$0x3F9B];
	s0 =	simm.s32 @p1 $0x1  }
0x15: {  	[smem:$0x3FB8] =	sst s0;
	s0 =	simm.s32 @!p2 $0x0  }
0x16: {  	s3 =	sld [smem:$0x3FDB];
	s0 =	simm.s32 @p2 $0x1  }
0x17: {  	s4 =	simm.s32 $0x1BF5;
	[smem:$0x3FBA] =	sst s0  }
0x18: {  	s0 =	sld [smem:$0x3F9D];
	_ =	swait.ge [sflag:s4], $0x0  }
0x19: {  	s7 =	sld [smem:$0x3F9E]  }
0x1a: {  	s8 =	sadd.s32 $0xFFFFE003, lr  }
0x1b: {  	s9 =	sadd.s32 $0xFFFFFEF7, lr;
	s5 =	simm.s32 $0xFFFFFFFF;
	p2 =	slt.u32 s8, $0xFFFFF086  }
0x1c: {  	p1 =	slt.u32 s9, $0xF7A;
	s5 =	simm.s32 @!p2 $0x0  }
0x1d: {  	s5 =	simm.s32 @p1 $0x1;
	p0 =	seq.s32 s7, s2  }
0x1e: {  	s7 =	smul.u32 @!p0 $0xF7A, s2;
	p2 =	seq.s32 @!p0 s5, $0x0  }
0x1f: {  	s9 =	smul.u32 $0xF7A, s1;
	s8 =	simm.s32 @!p0 $0x1BF5;
	p2 =	por !p2, p0  }
0x20: {  	[sflag:s8] =	ssyncset.s32 @!p0 $0xFFFFF086;
	s6 =	sadd.s32 @!p0 s3, s7;
	s7 =	simm.s32 @!p0 $0x108  }
0x21: {  	s3 =	sadd.s32 s3, s9;
	s6 =	sadd.s32 @!p0 $0x88, s6;
	s7 =	simm.s32 @p2 $0x1082  }
0x22: {  	[simem:s7], [sflag:s8] =	dma.local @!p0 [hbm:s6], $0xF7A  }
0x23: {  	s9 =	sor.u32 $0xD0000000, s2;
	s6 =	simm.s32 $0x108;
	_ =	swait.ge @!p0 [sflag:s8], $0x0  }
0x24: {  	s3 =	sadd.s32 $0x88, s3;
	s6 =	simm.s32 @!p1 $0x1082;
	[sflag:s4] =	ssyncset.s32 $0xFFFFF086  }
0x25: {  	[simem:s6], [sflag:s4] =	dma.local [hbm:s3], $0xF7A  }
0x26: {  	[smem:$0x3F9E] =	sst s1;
	(tag) =	ssettag s2;
	_ =	strace s9  }
0x27: {  	s1 =	sld [smem:$0x3FAE]  }
0x28: {  	s2 =	sld [smem:$0x3FAF]  }
0x29: {  	s4 =	sld [smem:$0x3FB1]  }
0x2a: {  	p0 =	seq.s32 s5, $0x0;
	s5 =	sld [smem:$0x3FB2]  }
0x2b: {  	s6 =	sld [smem:$0x3FB3]  }
0x2c: {  	s7 =	sld [smem:$0x3FB4]  }
0x2d: {  	s3 =	simm.s32 $0x108;
	s8 =	sld [smem:$0x3FB5]  }
0x2e: {  	s3 =	simm.s32 @!p0 $0x1082;
	s9 =	sld [smem:$0x3FB6]  }
0x2f: {  	lr =	sadd.s32 s0, s3;
	s0 =	sld [smem:$0x3FAD]  }
0x30: {  	s3 =	sld [smem:$0x3FB0]  }
0x31: {  	[smem:$0x3FB9] =	sst s10  }
0x32: {  	s10 =	sld [smem:$0x3FB7];
	_ =	sdelay $0x3  }
0x33: {  	p0 =	seq.s32 s10, $0x1;
	s10 =	sld [smem:$0x3FB9];
	_ =	sdelay $0x3  }
0x34: {  	[smem:$0x3FB9] =	sst s10  }
0x35: {  	s10 =	sld [smem:$0x3FB8];
	_ =	sdelay $0x3  }
0x36: {  	p1 =	seq.s32 s10, $0x1;
	s10 =	sld [smem:$0x3FB9];
	_ =	sdelay $0x3  }
0x37: {  	[smem:$0x3FB9] =	sst s10  }
0x38: {  	s10 =	sld [smem:$0x3FBA]  }
0x39: {  	_ = 	snop;
	(pc) =	sbr.ind lr, $3  }
0x3a: {  	_ = 	snop  }
0x3b: {  	_ = 	snop  }
0x3c: {  	p2 =	seq.s32 s10, $0x1;
	s10 =	sld [smem:$0x3FB9]  }
0x3d: {  	_ =	shalt  }
0x3e: {  	_ =	shalt  }
0x3f: {  	_ =	shalt  }
0x40: {  	_ =	shalt  }
0x41: {  	_ =	shalt  }
0x42: {  	_ =	shalt  }
0x43: {  	_ =	shalt  }
0x44: {  	_ =	shalt  }
0x45: {  	_ =	shalt  }
0x46: {  	_ =	shalt  }
0x47: {  	_ =	shalt  }
0x48: {  	_ =	shalt  }
0x49: {  	_ =	shalt  }
0x4a: {  	_ =	shalt  }
0x4b: {  	_ =	shalt  }
0x4c: {  	_ =	shalt  }
0x4d: {  	_ =	shalt  }
0x4e: {  	_ =	shalt  }
0x4f: {  	_ =	shalt  }
0x50: {  	_ =	shalt  }
0x51: {  	_ =	shalt  }
0x52: {  	_ =	shalt  }
0x53: {  	_ =	shalt  }
0x54: {  	_ =	shalt  }
0x55: {  	_ =	shalt  }
0x56: {  	_ =	shalt  }
0x57: {  	_ =	shalt  }
0x58: {  	_ =	shalt  }
0x59: {  	_ =	shalt  }
0x5a: {  	_ =	shalt  }
0x5b: {  	_ =	shalt  }
0x5c: {  	_ =	shalt  }
0x5d: {  	_ =	shalt  }
0x5e: {  	_ =	shalt  }
0x5f: {  	_ =	shalt  }
0x60: {  	_ =	shalt  }
0x61: {  	_ =	shalt  }
0x62: {  	_ =	shalt  }
0x63: {  	_ =	shalt  }
0x64: {  	_ =	shalt  }
0x65: {  	_ =	shalt  }
0x66: {  	_ =	shalt  }
0x67: {  	_ =	shalt  }
0x68: {  	_ =	shalt  }
0x69: {  	_ =	shalt  }
0x6a: {  	_ =	shalt  }
0x6b: {  	_ =	shalt  }
0x6c: {  	_ =	shalt  }
0x6d: {  	_ =	shalt  }
0x6e: {  	_ =	shalt  }
0x6f: {  	_ =	shalt  }
0x70: {  	_ =	shalt  }
0x71: {  	_ =	shalt  }
0x72: {  	_ =	shalt  }
0x73: {  	_ =	shalt  }
0x74: {  	_ =	shalt  }
0x75: {  	_ =	shalt  }
0x76: {  	_ =	shalt  }
0x77: {  	_ =	shalt  }
0x78: {  	_ =	shalt  }
0x79: {  	_ =	shalt  }
0x7a: {  	_ =	shalt  }
0x7b: {  	_ =	shalt  }
0x7c: {  	_ =	shalt  }
0x7d: {  	_ =	shalt  }
0x7e: {  	_ =	shalt  }
0x7f: {  	_ =	shalt  }
0x80: {  	_ =	shalt  }
0x81: {  	_ =	shalt  }
0x82: {  	_ =	shalt  }
0x83: {  	_ =	shalt  }
0x84: {  	_ =	shalt  }
0x85: {  	_ =	shalt  }
0x86: {  	_ =	shalt  }
0x87: {  	_ =	shalt  }
.Lfunc_end0:
.L_simem_size_0:
called_computation_lowered:
.L_overlay_start_0:
0x88: {  	s0 =	sld [smem:$0x3FD9]  }
0x89: {  	s1 =	sld [smem:$0x3FFE];
	_ =	sdelay $0x3  }
0x8a: {  	s0 =	sadd.s32 s1, s0  }
0x8b: {  	[smem:$0x3FC5] =	sst s0  }
0x8c: {  	_ = 	snop  }
0x8d: {  	s0 =	sld [smem:$0x3FC9]  }
0x8e: {  	s17 =	sld [smem:$0x3FC8]  }
0x8f: {  	s2 =	sld [smem:$0x3FC7]  }
0x90: {  	s3 =	sld [smem:$0x3FD0];
	(tm) =	ssettm $0x1  }
0x91: {  	s4 =	sld [smem:$0x3FFB];
	_ =	sdelay $0x3  }
0x92: {  	_ =	strace s4  }
0x93: {  	s4 =	sld [smem:$0x3FFC];
	_ =	sdelay $0x3  }
0x94: {  	_ =	strace s4  }
0x95: {  	s4 =	sld [smem:$0x3FFD];
	_ =	sdelay $0x3  }
0x96: {  	_ =	strace s4  }
0x97: {  	_ =	strace $0x8FFFFFFF  }
0x98: {  	s18 =	sld [smem:$0x3FDB];
	_ =	sdelay $0x1  }
0x99: {  	s5 =	simm.s32 $_scs_section_size  }
0x9a: {  	s6 =	simm.s32 $_size__tile_overlayer_lowered;
	s7 =	simm.s32 $_tile_overlayer_lowered  }
0x9b: {  	s21 =	simm.s32 $0x1BFF;
	s20 =	sshll.u32 s7, $0x1;
	s4 =	sadd.s32 s5, s18  }
0x9c: {  	s8 =	simm.s32 $0x0;
	s19 =	sshll.u32 s6, $0x1;
	s6 =	sadd.s32 s20, s4  }
0x9d: {  	[timem:s8], [sflag:s21] =	dma.local [hbm:s6], s19  }
0x9e: {  	_ =	swait.ge [sflag:s21], s19  }
0x9f: {  	s5 =	ssub.s32 $0x0, s19;
	[sflag:s21] =	ssyncset.done $0x0  }
0xa0: {  	[sflag:s21] =	ssyncadd.s32 s5;
	_ =	sdelay $0x1  }
0xa1: {  	s22 =	simm.s32 $0x1B8B  }
0xa2: {  	_ =	swait.ge [sflag:s22], $0x1  }
0xa3: {  	[sflag:s22] =	ssyncset.done $0x0  }
0xa4: {  	s23 =	simm.s32 $0x1B8E;
	[sflag:s22] =	ssyncadd.s32 $0xFFFFFFFF  }
0xa5: {  	s24 =	simm.s32 $execute0_lowered;
	[smem:$0x3FD2] =	sst s23  }
0xa6: {  	s5 =	sshll.u32 s24, $0x1;
	_ =	strace $0x80000046;
	[dreg:$0x1] =	wrdreg $0xFFFFFFFF  }
0xa7: {  	s25 =	simm.s32 $_size_execute0_lowered;
	s4 =	sadd.s32 s4, s5;
	[dreg:$0x0] =	wrdreg $0x0  }
0xa8: {  	s5 =	sshll.u32 s25, $0x1;
	[dreg:$0x2] =	wrdreg s4  }
0xa9: {  	[dreg:$0x3] =	wrdreg s5  }
0xaa: {  	[dreg:$0x4] =	wrdreg $0xC0  }
0xab: {  	_ =	task [dreg:s8], $0x5FFFF  }
0xac: {  	[dreg:$0x1] =	wrdreg $0xFFFFFFFF  }
0xad: {  	[dreg:$0x0] =	wrdreg $0x60  }
0xae: {  	[dreg:$0x2] =	wrdreg s0  }
0xaf: {  	[dreg:$0x3] =	wrdreg s17  }
0xb0: {  	[dreg:$0x4] =	wrdreg s2  }
0xb1: {  	[dreg:$0x5] =	wrdreg s3  }
0xb2: {  	[dreg:$0x6] =	wrdreg $0x9  }
0xb3: {  	_ =	task.clear_ibuf [dreg:s8], $0x7FFFF;
	_ =	strace $0x90000046  }
0xb4: {  	s26 =	simm.s32 $0x9;
	_ =	strace $0x80000048  }
0xb5: {  	_ =	swait.ge [sflag:s26], $0x1  }
0xb6: {  	[sflag:s26] =	ssyncadd.s32 $0xFFFFFFFF  }
0xb7: {  	_ =	strace $0x90000048  }
0xb8: {  	_ =	sfence  }
0xb9: {  	s28 =	sld [smem:$0x0];
	_ =	sdelay $0x1  }
0xba: {  	s29 =	srdreg.scid  }
0xbb: {  	s30 =	sshll.u32 s29, $0xD;
	s31 =	sshrl.u32 s29, $0x2  }
0xbc: {  	s1 =	sand.u32 $0x1, s29;
	s2 =	sand.u32 $0x4000, s30;
	s0 =	sadd.s32 s31, s28  }
0xbd: {  	s1 =	sor.u32 s2, s1;
	s0 =	sshll.u32 s0, $0x11  }
0xbe: {  	s0 =	sor.u32 s0, s1  }
0xbf: {  	s0 =	sadd.s32 $0x8F2B, s0  }
0xc0: {  	[sflag:s0] =	ssyncadd.remote.s32 $0x1  }
0xc1: {  	_ =	sfence.sel $0xFFFF  }
0xc2: {  	[dreg:$0x0] =	wrdreg $0xFFFFFFFF;
	(pc) =	sbr.abs _section_cstart, $3  }
0xc3: {  	[dreg:$0x1] =	wrdreg $0xFFFFFFFF  }
0xc4: {  	_ =	task.clear_ibuf [dreg:s8], $0x2FFFF;
	_ =	strace $0x9FFFFFFF  }
0xc5: {  	(tm) =	ssettm $0x7FFFFFFF  }
tec
execute0_lowered:
.L_overlay_start_1:
0x0: {  	(tag) =	ssettag $0x1  }
0x1: {  	s1 =	stileid.u32  }
0x2: {  	s3 =	rddreg [dreg:$0x0];
	p0 =	seq.s32 s1, $0xF  }
.Ltmp0:
0x3: {  	s5 =	rddreg [dreg:$0x1];
	(pc) =	sbr.rel @p0 .LBB2_4-.Ltmp0, $4  }
0x4: {  	s7 =	rddreg [dreg:$0x2]  }
0x5: {  	s2 =	rddreg [dreg:$0x3];
	s4 =	simm.s32 $0x0  }
0x6: {  	[smem:$0x7FF] =	sst s4  }
0x7: {  	s0 =	rddreg [dreg:$0x4];
	_ =	strace $0x80000047  }
0x8: {  	[tilespmem:s4], [sflag:$0x2] =	stream.linear.gather [hbm4b:s3+s4], $0x100, $0x38;
	[tilespmem:$0x4A00] =	vst v63  }
0x9: {  	p0 =	sgt.u32 s1, $0xC  }
.Ltmp1:
0xa: {  	_ = 	snop;
	(pc) =	sbr.rel @p0 .LBB2_3-.Ltmp1, $4  }
0xb: {  	s3 =	simm.s32 $0x2  }
0xc: {  	_ =	swait.ge [sflag:s3], $0x100  }
0xd: {  	[sflag:s3] =	ssyncset.done $0x0  }
0xe: {  	v0 =	vlaneseq.u32;
	[sflag:s3] =	ssyncadd.s32 $0xFFFFFF00  }
0xf: {  	p0 =	sgt.u32 s1, $0x6;
	s3 =	simm.s32 $0xFFFFFFE6  }
0x10: {  	s4 =	sshll.u32 s1, $0x2;
	s3 =	simm.s32 @!p0 $0x0  }
0x11: {  	s6 =	simm.s32 $0x1;
	s7 =	sadd.s32 s4, s3  }
0x12: {  	s6 =	simm.s32 @!p0 $0x0;
	v1 =	vadd.s32 s7, v0  }
0x13: {  	s30 =	sshll.u32 s6, $0x7;
	v2 =	vand.u32 $0xFFFFFF80, v1  }
0x14: {  	v1 =	vand.u32 $0x7F, v1;
	v2 =	vadd.s32 s30, v2  }
0x15: {  	v1 =	vor.u32 v1, v2;
	_ =	sdelay $0x3  }
0x16: {  	s3 =	simm.s32 $0x0  }
0x17: {  	v1 =	vld.idx.msk [tilespmem:v1+s3+$0x0], $0xffff;
	_ =	sdelay $0x4  }
0x18: {  	v1 =	vtrunc.f32 v1  }
0x19: {  	v1 =	vcvt.f32.s32 v1;
	_ =	sdelay $0x1  }
0x1a: {  	v51 =	vand.u32 $0xFFFFFF80, v1  }
0x1b: {  	(v2sf) =	vpush v51, $0x0  }
0x1c: {  	(v2sf) =	vpush v51, $0x1;
	_ =	sdelay $0x8  }
0x1d: {  	s4 =	sor.u32 $0x2, s4  }
0x1e: {  	s6 =	simm.s32 $0xFFFFFFE6;
	p1 =	sgt.u32 s4, $0x19  }
0x1f: {  	s8 =	smul.u32 $0x61C00, s7;
	s6 =	simm.s32 @!p1 $0x0  }
0x20: {  	s10 =	simm.s32 $0x1;
	s7 =	smul.u32 $0x30E000, s7;
	s31 =	sadd.s32 s4, s6  }
0x21: {  	s11 =	simm.s32 $0x400;
	s10 =	simm.s32 @!p1 $0x0;
	v52 =	vadd.s32 s31, v0  }
0x22: {  	s7 =	sadd.s32 $0x30E000, s7;
	s13 =	sshll.u32 s10, $0x7;
	v3 =	vand.u32 $0xFFFFFF80, v52;
	s9 =	spop (v2sf)  }
0x23: {  	s7 =	sshrl.u32 s7, $0x3;
	v2 =	vand.u32 $0x7F, v52;
	v3 =	vadd.s32 s13, v3;
	s8 =	sadd.s32 s8, s9;
	s16 =	spop (v2sf)  }
0x24: {  	s15 =	simm.s32 $0xA00;
	v2 =	vor.u32 v2, v3;
	s12 =	sand.u32 $0x1FFFFF80, s8;
	s7 =	sadd.s32 s7, s16  }
0x25: {  	s14 =	sadd.s32 s5, s12;
	s12 =	simm.s32 $0xC3800;
	s7 =	sand.u32 $0x1FFFFF80, s7  }
0x26: {  	[tilespmem:s15], [sflag:$0x1] =	stream.strided.gather [hbm4b:s14+s11], $0x1000, s12, s11, $0x38;
	[tilespmem:$0x4A00] =	vst v63  }
0x27: {  	s17 =	simm.s32 $0x1A00;
	s7 =	sadd.s32 s5, s7  }
0x28: {  	[tilespmem:s17], [sflag:$0x1] =	stream.strided.gather [hbm4b:s7+s11], $0x1000, s12, s11, $0x38;
	[tilespmem:$0x4A00] =	vst v63  }
0x29: {  	v2 =	vld.idx.msk [tilespmem:v2+s3+$0x0], $0xffff;
	_ =	sdelay $0x4  }
0x2a: {  	v2 =	vtrunc.f32 v2  }
0x2b: {  	v2 =	vcvt.f32.s32 v2;
	_ =	sdelay $0x1  }
0x2c: {  	v53 =	vand.u32 $0xFFFFFF80, v2  }
0x2d: {  	(v2sf) =	vpush v53, $0x0;
	_ =	sdelay $0x2  }
0x2e: {  	(v2sf) =	vpush v53, $0x1;
	_ =	sdelay $0xa  }
0x2f: {  	s18 =	smul.u32 $0x61C00, s31  }
0x30: {  	s9 =	smul.u32 $0x30E000, s31;
	s19 =	spop (v2sf)  }
0x31: {  	s7 =	sadd.s32 s18, s19  }
0x32: {  	s21 =	simm.s32 $0x2A00;
	s20 =	sadd.s32 $0x30E000, s9;
	s7 =	sand.u32 $0x1FFFFF80, s7  }
0x33: {  	s22 =	sshrl.u32 s20, $0x3;
	s23 =	spop (v2sf);
	s7 =	sadd.s32 s5, s7  }
0x34: {  	[tilespmem:s21], [sflag:$0x1] =	stream.strided.gather [hbm4b:s7+s11], $0x1000, s12, s11, $0x38;
	[tilespmem:$0x4A00] =	vst v63  }
0x35: {  	s7 =	sadd.s32 s22, s23  }
0x36: {  	s8 =	sand.u32 $0x1FFFFF80, s7  }
0x37: {  	s24 =	simm.s32 $0x1;
	s26 =	simm.s32 $0x3A00;
	s25 =	sadd.s32 s5, s8  }
0x38: {  	[tilespmem:s26], [sflag:$0x1] =	stream.strided.gather [hbm4b:s25+s11], $0x1000, s12, s11, $0x38;
	[tilespmem:$0x4A00] =	vst v63  }
0x39: {  	_ =	swait.ge [sflag:s24], $0x1000  }
0x3a: {  	[sflag:s24] =	ssyncset.done $0x0  }
0x3b: {  	[sflag:s24] =	ssyncadd.s32 $0xFFFFF000  }
0x3c: {  	_ =	swait.ge [sflag:s24], $0x1000  }
0x3d: {  	v1 =	vand.u32 $0x7F, v1;
	[sflag:s24] =	ssyncset.done $0x0  }
0x3e: {  	v55 =	vmul.u32 $0x80, v0;
	v54 =	vbroadcast v1, $0x0;
	[sflag:s24] =	ssyncadd.s32 $0xFFFFF000  }
0x3f: {  	_ =	swait.ge [sflag:s24], $0x1000  }
0x40: {  	v4 =	vor.u32 v55, v54;
	[sflag:s24] =	ssyncset.done $0x0  }
0x41: {  	[sflag:s24] =	ssyncadd.s32 $0xFFFFF000  }
0x42: {  	_ =	swait.ge [sflag:s24], $0x1000  }
0x43: {  	[sflag:s24] =	ssyncset.done $0x0  }
0x44: {  	[sflag:s24] =	ssyncadd.s32 $0xFFFFF000  }
0x45: {  	v5 =	vor.u32 $0x800, v55;
	v4 =	vld.idx.msk [tilespmem:v4+s15+$0x0], $0xffff  }
0x46: {  	v3 =	vor.u32 v5, v54;
	_ =	sdelay $0x3  }
0x47: {  	v1 =	vbroadcast v1, $0x1;
	[tilespmem:$0x780] =	vst v4  }
0x48: {  	v56 =	vor.u32 $0x1000, v55;
	v3 =	vld.idx.msk [tilespmem:v3+s15+$0x0], $0xffff  }
0x49: {  	v4 =	vor.u32 v56, v1;
	_ =	sdelay $0x3  }
0x4a: {  	[tilespmem:$0x790] =	vst v3  }
0x4b: {  	v57 =	vor.u32 $0x1800, v55;
	v3 =	vld.idx.msk [tilespmem:v4+s15+$0x0], $0xffff  }
0x4c: {  	v1 =	vor.u32 v57, v1;
	_ =	sdelay $0x3  }
0x4d: {  	v2 =	vand.u32 $0x7F, v2;
	[tilespmem:$0x7A0] =	vst v3  }
0x4e: {  	v58 =	vbroadcast v2, $0x0;
	v1 =	vld.idx.msk [tilespmem:v1+s15+$0x0], $0xffff  }
0x4f: {  	v59 =	vor.u32 $0x2000, v55  }
0x50: {  	v4 =	vor.u32 v59, v58  }
0x51: {  	s28 =	sshll.u32 s1, $0x4;
	s8 =	simm.s32 $0x34  }
0x52: {  	s5 =	sadd.s32 s2, s28;
	s8 =	simm.s32 @!p0 $0x0  }
0x53: {  	s29 =	simm.s32 $0x780;
	s5 =	sadd.s32 s8, s5;
	[tilespmem:$0x7B0] =	vst v1  }
0x54: {  	[hbm4b:s5+s3] =	stream.linear.scatter [tilespmem:s29], [sflag:$0x1], $0x40, $0x38;
	[tilespmem:$0x4A00] =	vst v63  }
0x55: {  	v60 =	vor.u32 $0x2800, v55;
	v1 =	vld.idx.msk [tilespmem:v4+s15+$0x0], $0xffff  }
0x56: {  	v3 =	vor.u32 v60, v58;
	_ =	sdelay $0x3  }
0x57: {  	v61 =	vbroadcast v2, $0x1;
	[tilespmem:$0x7C0] =	vst v1  }
0x58: {  	v63 =	vor.u32 $0x3000, v55;
	v62 =	vld.idx.msk [tilespmem:v3+s15+$0x0], $0xffff  }
0x59: {  	v3 =	vor.u32 v63, v61;
	_ =	sdelay $0x3  }
0x5a: {  	[tilespmem:$0x7D0] =	vst v62  }
0x5b: {  	v0 =	vor.u32 $0x3800, v55;
	v2 =	vld.idx.msk [tilespmem:v3+s15+$0x0], $0xffff  }
0x5c: {  	v0 =	vor.u32 v0, v61;
	_ =	sdelay $0x3  }
0x5d: {  	[tilespmem:$0x7E0] =	vst v2  }
0x5e: {  	v0 =	vld.idx.msk [tilespmem:v0+s15+$0x0], $0xffff;
	_ =	sdelay $0x2  }
0x5f: {  	s4 =	sshll.u32 s4, $0x2;
	s5 =	simm.s32 $0x34  }
0x60: {  	s30 =	sadd.s32 s2, s4;
	s5 =	simm.s32 @!p1 $0x0  }
0x61: {  	s31 =	simm.s32 $0x7C0;
	s2 =	sadd.s32 s5, s30;
	[tilespmem:$0x7F0] =	vst v0  }
0x62: {  	[hbm4b:s2+s3] =	stream.linear.scatter [tilespmem:s31], [sflag:$0x1], $0x40, $0x38;
	[tilespmem:$0x4A00] =	vst v63  }
0x63: {  	_ =	swait.ge [sflag:s24], $0x40  }
.Ltmp2:
0x64: {  	[sflag:s24] =	ssyncset.done $0x0;
	(pc) =	sbr.rel .LBB2_4-.Ltmp2, $4  }
0x65: {  	[sflag:s24] =	ssyncadd.s32 $0xFFFFFFC0  }
0x66: {  	_ =	swait.ge [sflag:s24], $0x40  }
0x67: {  	[sflag:s24] =	ssyncset.done $0x0  }
0x68: {  	[sflag:s24] =	ssyncadd.s32 $0xFFFFFFC0  }
.LBB2_3:
0x69: {  	s5 =	sadd.s32 $0xFFFFFFF3, s1  }
0x6a: {  	v1 =	vadd.s32 $0x17, v0;
	s4 =	sshll.u32 s5, $0x7  }
0x6b: {  	s30 =	simm.s32 $0x0;
	s6 =	simm.s32 $0x100;
	v1 =	vor.u32 s4, v1  }
0x6c: {  	[tilespmem:s6], [sflag:$0x2] =	stream.linear.gather [hbm4b:s7+s30], $0x680, $0x38;
	[tilespmem:$0x4A00] =	vst v63  }
0x6d: {  	_ =	swait.ge [sflag:s3], $0x680  }
0x6e: {  	[sflag:s3] =	ssyncset.done $0x0  }
0x6f: {  	[sflag:s3] =	ssyncadd.s32 $0xFFFFF980  }
0x70: {  	v1 =	vld.idx.msk [tilespmem:v1+s30+$0x0], $0xffff;
	_ =	sdelay $0x1  }
0x71: {  	v2 =	vld.idx.msk [tilespmem:v0+s6+$0x0], $0xffff;
	_ =	sdelay $0x2  }
0x72: {  	v4 =	vor.u32 $0x10, v0;
	v3 =	vbroadcast v1, $0x3;
	_ =	sdelay $0x1  }
0x73: {  	v2 =	vmul.f32 v2, v3;
	_ =	sdelay $0x1  }
0x74: {  	[tilespmem:$0x800] =	vst v2  }
0x75: {  	v2 =	vld.idx.msk [tilespmem:v4+s6+$0x0], $0xffff;
	_ =	sdelay $0x2  }
0x76: {  	v29 =	vor.u32 $0x80, v0;
	_ =	sdelay $0x1  }
0x77: {  	v2 =	vmul.f32 v2, v3;
	_ =	sdelay $0x1  }
0x78: {  	[tilespmem:$0x810] =	vst v2  }
0x79: {  	v2 =	vld.idx.msk [tilespmem:v29+s6+$0x0], $0xffff;
	_ =	sdelay $0x2  }
0x7a: {  	v31 =	vor.u32 $0x90, v0;
	v30 =	vbroadcast v1, $0x4;
	_ =	sdelay $0x1  }
0x7b: {  	v2 =	vmul.f32 v2, v30;
	_ =	sdelay $0x1  }
0x7c: {  	[tilespmem:$0x820] =	vst v2  }
0x7d: {  	v2 =	vld.idx.msk [tilespmem:v31+s6+$0x0], $0xffff;
	_ =	sdelay $0x2  }
0x7e: {  	v32 =	vor.u32 $0x100, v0;
	_ =	sdelay $0x1  }
0x7f: {  	v2 =	vmul.f32 v2, v30;
	_ =	sdelay $0x1  }
0x80: {  	[tilespmem:$0x830] =	vst v2  }
0x81: {  	v2 =	vld.idx.msk [tilespmem:v32+s6+$0x0], $0xffff;
	_ =	sdelay $0x2  }
0x82: {  	v34 =	vor.u32 $0x110, v0;
	v33 =	vbroadcast v1, $0x5;
	_ =	sdelay $0x1  }
0x83: {  	v2 =	vmul.f32 v2, v33;
	_ =	sdelay $0x1  }
0x84: {  	[tilespmem:$0x840] =	vst v2  }
0x85: {  	v2 =	vld.idx.msk [tilespmem:v34+s6+$0x0], $0xffff;
	_ =	sdelay $0x2  }
0x86: {  	v35 =	vor.u32 $0x180, v0;
	_ =	sdelay $0x1  }
0x87: {  	v2 =	vmul.f32 v2, v33;
	_ =	sdelay $0x1  }
0x88: {  	[tilespmem:$0x850] =	vst v2  }
0x89: {  	v2 =	vld.idx.msk [tilespmem:v35+s6+$0x0], $0xffff;
	_ =	sdelay $0x2  }
0x8a: {  	v37 =	vor.u32 $0x190, v0;
	v36 =	vbroadcast v1, $0x6;
	_ =	sdelay $0x1  }
0x8b: {  	v2 =	vmul.f32 v2, v36;
	_ =	sdelay $0x1  }
0x8c: {  	[tilespmem:$0x860] =	vst v2  }
0x8d: {  	v2 =	vld.idx.msk [tilespmem:v37+s6+$0x0], $0xffff;
	_ =	sdelay $0x2  }
0x8e: {  	v38 =	vor.u32 $0x200, v0;
	_ =	sdelay $0x1  }
0x8f: {  	v2 =	vmul.f32 v2, v36;
	_ =	sdelay $0x1  }
0x90: {  	[tilespmem:$0x870] =	vst v2  }
0x91: {  	v2 =	vld.idx.msk [tilespmem:v38+s6+$0x0], $0xffff;
	_ =	sdelay $0x2  }
0x92: {  	v40 =	vor.u32 $0x210, v0;
	v39 =	vbroadcast v1, $0x7;
	_ =	sdelay $0x1  }
0x93: {  	v2 =	vmul.f32 v2, v39;
	_ =	sdelay $0x1  }
0x94: {  	[tilespmem:$0x880] =	vst v2  }
0x95: {  	v2 =	vld.idx.msk [tilespmem:v40+s6+$0x0], $0xffff;
	_ =	sdelay $0x2  }
0x96: {  	v41 =	vor.u32 $0x280, v0;
	_ =	sdelay $0x1  }
0x97: {  	v2 =	vmul.f32 v2, v39;
	_ =	sdelay $0x1  }
0x98: {  	[tilespmem:$0x890] =	vst v2  }
0x99: {  	v2 =	vld.idx.msk [tilespmem:v41+s6+$0x0], $0xffff;
	_ =	sdelay $0x2  }
0x9a: {  	v43 =	vor.u32 $0x290, v0;
	v42 =	vbroadcast v1, $0x8;
	_ =	sdelay $0x1  }
0x9b: {  	v2 =	vmul.f32 v2, v42;
	_ =	sdelay $0x1  }
0x9c: {  	[tilespmem:$0x8A0] =	vst v2  }
0x9d: {  	v2 =	vld.idx.msk [tilespmem:v43+s6+$0x0], $0xffff;
	_ =	sdelay $0x2  }
0x9e: {  	v44 =	vor.u32 $0x300, v0;
	_ =	sdelay $0x1  }
0x9f: {  	v2 =	vmul.f32 v2, v42;
	_ =	sdelay $0x1  }
0xa0: {  	[tilespmem:$0x8B0] =	vst v2  }
0xa1: {  	v2 =	vld.idx.msk [tilespmem:v44+s6+$0x0], $0xffff;
	_ =	sdelay $0x2  }
0xa2: {  	v46 =	vor.u32 $0x310, v0;
	v45 =	vbroadcast v1, $0x9;
	_ =	sdelay $0x1  }
0xa3: {  	v2 =	vmul.f32 v2, v45;
	_ =	sdelay $0x1  }
0xa4: {  	[tilespmem:$0x8C0] =	vst v2  }
0xa5: {  	v2 =	vld.idx.msk [tilespmem:v46+s6+$0x0], $0xffff;
	_ =	sdelay $0x2  }
0xa6: {  	v47 =	vor.u32 $0x380, v0;
	_ =	sdelay $0x1  }
0xa7: {  	v2 =	vmul.f32 v2, v45;
	_ =	sdelay $0x1  }
0xa8: {  	[tilespmem:$0x8D0] =	vst v2  }
0xa9: {  	v2 =	vld.idx.msk [tilespmem:v47+s6+$0x0], $0xffff;
	_ =	sdelay $0x2  }
0xaa: {  	v49 =	vor.u32 $0x390, v0;
	v48 =	vbroadcast v1, $0xA;
	_ =	sdelay $0x1  }
0xab: {  	v2 =	vmul.f32 v2, v48;
	_ =	sdelay $0x1  }
0xac: {  	[tilespmem:$0x8E0] =	vst v2  }
0xad: {  	v2 =	vld.idx.msk [tilespmem:v49+s6+$0x0], $0xffff;
	_ =	sdelay $0x2  }
0xae: {  	v50 =	vor.u32 $0x400, v0;
	_ =	sdelay $0x1  }
0xaf: {  	v2 =	vmul.f32 v2, v48;
	_ =	sdelay $0x1  }
0xb0: {  	[tilespmem:$0x8F0] =	vst v2  }
0xb1: {  	v2 =	vld.idx.msk [tilespmem:v50+s6+$0x0], $0xffff;
	_ =	sdelay $0x2  }
0xb2: {  	v52 =	vor.u32 $0x410, v0;
	v51 =	vbroadcast v1, $0xB;
	_ =	sdelay $0x1  }
0xb3: {  	v2 =	vmul.f32 v2, v51;
	_ =	sdelay $0x1  }
0xb4: {  	[tilespmem:$0x900] =	vst v2  }
0xb5: {  	v2 =	vld.idx.msk [tilespmem:v52+s6+$0x0], $0xffff;
	_ =	sdelay $0x2  }
0xb6: {  	v53 =	vor.u32 $0x480, v0;
	_ =	sdelay $0x1  }
0xb7: {  	v2 =	vmul.f32 v2, v51;
	_ =	sdelay $0x1  }
0xb8: {  	[tilespmem:$0x910] =	vst v2  }
0xb9: {  	v2 =	vld.idx.msk [tilespmem:v53+s6+$0x0], $0xffff;
	_ =	sdelay $0x2  }
0xba: {  	v55 =	vor.u32 $0x490, v0;
	v54 =	vbroadcast v1, $0xC;
	_ =	sdelay $0x1  }
0xbb: {  	v2 =	vmul.f32 v2, v54;
	_ =	sdelay $0x1  }
0xbc: {  	[tilespmem:$0x920] =	vst v2  }
0xbd: {  	v2 =	vld.idx.msk [tilespmem:v55+s6+$0x0], $0xffff;
	_ =	sdelay $0x2  }
0xbe: {  	v56 =	vor.u32 $0x500, v0;
	_ =	sdelay $0x1  }
0xbf: {  	v2 =	vmul.f32 v2, v54;
	_ =	sdelay $0x1  }
0xc0: {  	[tilespmem:$0x930] =	vst v2  }
0xc1: {  	v2 =	vld.idx.msk [tilespmem:v56+s6+$0x0], $0xffff;
	_ =	sdelay $0x2  }
0xc2: {  	v58 =	vor.u32 $0x510, v0;
	v57 =	vbroadcast v1, $0xD;
	_ =	sdelay $0x1  }
0xc3: {  	v2 =	vmul.f32 v2, v57;
	_ =	sdelay $0x1  }
0xc4: {  	[tilespmem:$0x940] =	vst v2  }
0xc5: {  	v2 =	vld.idx.msk [tilespmem:v58+s6+$0x0], $0xffff;
	_ =	sdelay $0x2  }
0xc6: {  	v59 =	vor.u32 $0x580, v0;
	_ =	sdelay $0x1  }
0xc7: {  	v2 =	vmul.f32 v2, v57;
	_ =	sdelay $0x1  }
0xc8: {  	[tilespmem:$0x950] =	vst v2  }
0xc9: {  	v2 =	vld.idx.msk [tilespmem:v59+s6+$0x0], $0xffff;
	_ =	sdelay $0x2  }
0xca: {  	v61 =	vor.u32 $0x590, v0;
	v60 =	vbroadcast v1, $0xE;
	_ =	sdelay $0x1  }
0xcb: {  	v2 =	vmul.f32 v2, v60;
	_ =	sdelay $0x1  }
0xcc: {  	[tilespmem:$0x960] =	vst v2  }
0xcd: {  	v2 =	vld.idx.msk [tilespmem:v61+s6+$0x0], $0xffff;
	_ =	sdelay $0x2  }
0xce: {  	v62 =	vor.u32 $0x600, v0;
	_ =	sdelay $0x1  }
0xcf: {  	v2 =	vmul.f32 v2, v60;
	_ =	sdelay $0x1  }
0xd0: {  	[tilespmem:$0x970] =	vst v2  }
0xd1: {  	v2 =	vld.idx.msk [tilespmem:v62+s6+$0x0], $0xffff;
	_ =	sdelay $0x2  }
0xd2: {  	v63 =	vor.u32 $0x610, v0;
	v1 =	vbroadcast v1, $0xF;
	_ =	sdelay $0x1  }
0xd3: {  	v2 =	vmul.f32 v2, v1;
	_ =	sdelay $0x1  }
0xd4: {  	[tilespmem:$0x980] =	vst v2  }
0xd5: {  	v0 =	vld.idx.msk [tilespmem:v63+s6+$0x0], $0xffff;
	_ =	sdelay $0x2  }
0xd6: {  	s5 =	smul.u32 $0x4E0, s5;
	_ =	sdelay $0x1  }
0xd7: {  	s5 =	sshrl.u32 s5, $0x3;
	v0 =	vmul.f32 v0, v1  }
0xd8: {  	s2 =	sadd.s32 s2, s5  }
0xd9: {  	s31 =	simm.s32 $0x800;
	s2 =	sadd.s32 $0x68, s2;
	[tilespmem:$0x990] =	vst v0  }
0xda: {  	[hbm4b:s2+s30] =	stream.linear.scatter [tilespmem:s31], [sflag:$0x2], $0x1A0, $0x38;
	[tilespmem:$0x4A00] =	vst v63  }
0xdb: {  	_ =	swait.ge [sflag:s3], $0x1A0  }
0xdc: {  	[sflag:s3] =	ssyncset.done $0x0  }
0xdd: {  	[sflag:s3] =	ssyncadd.s32 $0xFFFFFE60  }
.LBB2_4:
0xde: {  	_ =	sfence.sel $0x180000  }
0xdf: {  	[bflag:$0x0] =	sbarrier.arrive $0xFFFF  }
0xe0: {  	p0 =	sne.s32 s1, $0x0;
	_ =	strace $0x90000047  }
0xe1: {  	s0 =	sadd.s32 @!p0 $0x100000, s0;
	[bflag:$0x2] =	sbarrier.arrive $0xFFFF  }
0xe2: {  	[sflag:s0] =	ssyncadd.tile.s32 @!p0 $0x1;
	_ =	shalt  }
.Lfunc_end2:
_tile_overlayer_lowered:
.L_overlay_start_2:
0xe3: {  	(tag) =	ssettag $0x2  }
0xe4: {  	s0 =	rddreg [dreg:$0x0];
	s2 =	stileid.u32  }
0xe5: {  	s1 =	rddreg [dreg:$0x1];
	p0 =	sne.s32 s2, $0x0  }
0xe6: {  	s3 =	rddreg [dreg:$0x2];
	[bflag:$0x3] =	sbarrier.arrive $0xFFFF;
	s2 =	simm.s32 @!p0 $0x1C02  }
0xe7: {  	[timem:s3], [sflag:s2] =	dma.local @!p0 [hbm:s0], s1  }
0xe8: {  	s0 =	simm.s32 @!p0 $0x2  }
0xe9: {  	_ =	swait.ge @!p0 [sflag:s0], s1  }
0xea: {  	s1 =	ssub.s32 @!p0 $0x0, s1;
	[sflag:s0] =	ssyncset.done @!p0 $0x0  }
0xeb: {  	[sflag:s0] =	ssyncadd.s32 @!p0 s1  }
0xec: {  	[bflag:$0x3] =	sbarrier.arrive $0xFFFF  }
0xed: {  	_ =	shalt  }

</sc_bundles>
